<compile_context>
chip_gen: v7x
topology: tpu7x:2x2x1
jax: 0.10.2.dev20260603
libtpu: 0.0.44.dev20260713+nightly
codegen_flags: <defaults>
</compile_context>

<pallas_src>
import functools

import jax
import jax.numpy as jnp
from jax import lax
from jax.experimental import pallas as pl
from jax.experimental.pallas import tpu as pltpu
from jax.experimental.pallas import tpu_sc as plsc

WIN = 768
TAILW = 384
ROWCHUNK = 128


def _sc_stream_gather(su, ou, si, oi, PT, UT, QT, VT, TP, TU, TQ, TV):
    B = su.shape[0]
    Df = PT.shape[0]
    V = PT.shape[1]
    w_last = (V - 2) // WIN
    info = plsc.get_sparse_core_info()
    NC, NS = info.num_cores, info.num_subcores
    NW = NC * NS
    b_per_w = B // NW
    W2 = 2 * Df

    mesh = plsc.VectorSubcoreMesh(core_axis_name="c", subcore_axis_name="s")

    @functools.partial(
        pl.kernel,
        mesh=mesh,
        compiler_params=pltpu.CompilerParams(needs_layout_passes=False),
        out_type=[jax.ShapeDtypeStruct((B, W2), jnp.float32)] * 2,
        scratch_types=[
            pltpu.VMEM((b_per_w + 16,), jnp.int32),
            pltpu.VMEM((b_per_w,), jnp.int32),
            pltpu.VMEM((Df, WIN), jnp.float32),
            pltpu.VMEM((Df, WIN), jnp.float32),
            pltpu.VMEM((ROWCHUNK, W2), jnp.float32),
            pltpu.SemaphoreType.DMA,
            pltpu.SemaphoreType.DMA,
        ],
    )
    def gather_kernel(su_hbm, ou_hbm, si_hbm, oi_hbm, pt, ut, qt, vt,
                      tp, tu, tq, tv,
                      out_u, out_i,
                      vs_vm, dest_v, blk_a, blk_b, rows, sa, sb):
        wid = lax.axis_index("s") * NC + lax.axis_index("c")
        base = wid * b_per_w

        def run_stream(v_hbm, o_hbm, ta, tb, tail_a, tail_b, out):
            pltpu.sync_copy(v_hbm.at[pl.ds(base, b_per_w)],
                            vs_vm.at[pl.ds(0, b_per_w)])
            pltpu.sync_copy(o_hbm.at[pl.ds(base, b_per_w)], dest_v)

            def chunk(cidx, cur_win0):
                def body(jj, cur_win):
                    j = cidx * ROWCHUNK + jj
                    v = jnp.minimum(vs_vm[pl.ds(j, 16)][0], V - 2)
                    win = lax.div(v, WIN)
                    changed = jnp.not_equal(win, cur_win)

                    @pl.when(jnp.logical_and(changed, win < w_last))
                    def _():
                        off = pl.multiple_of(win * WIN, WIN)
                        ca = pltpu.async_copy(ta.at[:, pl.ds(off, WIN)],
                                              blk_a, sa)
                        cb = pltpu.async_copy(tb.at[:, pl.ds(off, WIN)],
                                              blk_b, sb)
                        ca.wait()
                        cb.wait()

                    @pl.when(jnp.logical_and(changed, win >= w_last))
                    def _():
                        ca = pltpu.async_copy(tail_a,
                                              blk_a.at[:, pl.ds(0, TAILW)], sa)
                        cb = pltpu.async_copy(tail_b,
                                              blk_b.at[:, pl.ds(0, TAILW)], sb)
                        ca.wait()
                        cb.wait()

                    c = jnp.full((16,), lax.rem(v, WIN), dtype=jnp.int32)
                    for k in range(Df // 16):
                        r = jnp.arange(16 * k, 16 * (k + 1), dtype=jnp.int32)
                        rows[jj, pl.ds(16 * k, 16)] = plsc.load_gather(
                            blk_a, [r, c])
                        rows[jj, pl.ds(Df + 16 * k, 16)] = plsc.load_gather(
                            blk_b, [r, c])
                    return win

                cur_win0 = lax.fori_loop(0, ROWCHUNK, body, cur_win0)
                pltpu.sync_copy(
                    rows,
                    out.at[dest_v.at[pl.ds(cidx * ROWCHUNK, ROWCHUNK)]])
                return cur_win0

            lax.fori_loop(0, b_per_w // ROWCHUNK, chunk, jnp.int32(-1))

        run_stream(su_hbm, ou_hbm, pt, ut, tp, tu, out_u)
        run_stream(si_hbm, oi_hbm, qt, vt, tq, tv, out_i)

    return gather_kernel(su, ou, si, oi, PT, UT, QT, VT, TP, TU, TQ, TV)


def _head_body(pu_ref, qv_ref, w1_ref, b1_ref, w2_ref, b2_ref,
               wp_ref, bp_ref, out_ref):
    pu = pu_ref[...]
    qv = qv_ref[...]
    D = pu.shape[1] // 2
    gmf = pu[:, :D] * qv[:, :D]
    x = jnp.concatenate([pu[:, D:], qv[:, D:]], axis=1)
    h = lax.dot_general(x, w1_ref[...], (((1,), (1,)), ((), ())),
                        preferred_element_type=jnp.float32)
    h = jnp.maximum(h + b1_ref[...], 0.0)
    mlp = lax.dot_general(h, w2_ref[...], (((1,), (1,)), ((), ())),
                          preferred_element_type=jnp.float32)
    mlp = jnp.maximum(mlp + b2_ref[...], 0.0)
    con = jnp.concatenate([gmf, mlp], axis=1)
    z = jnp.sum(con * wp_ref[...], axis=1, keepdims=True)
    out_ref[...] = 1.0 / (1.0 + jnp.exp(-(z + bp_ref[0, 0])))


def _tc_head(rows_u, rows_i, W1, b1, W2, b2, Wp, bp, interpret=False):
    B, W = rows_u.shape
    BLK = 2048
    grid = (B // BLK,)
    blk_spec = pl.BlockSpec((BLK, W), lambda i: (i, 0))
    full = lambda shape: pl.BlockSpec(shape, lambda i: (0, 0))
    return pl.pallas_call(
        _head_body,
        grid=grid,
        in_specs=[
            blk_spec, blk_spec,
            full(W1.shape), full(b1.shape),
            full(W2.shape), full(b2.shape),
            full(Wp.shape),
            pl.BlockSpec(memory_space=pltpu.SMEM),
        ],
        out_specs=pl.BlockSpec((BLK, 1), lambda i: (i, 0)),
        out_shape=jax.ShapeDtypeStruct((B, 1), jnp.float32),
        compiler_params=pltpu.CompilerParams(
            dimension_semantics=("arbitrary",)),
        interpret=interpret,
    )(rows_u, rows_i, W1, b1, W2, b2, Wp, bp)


def kernel(user_id, item_id, P, Q, U, V, W1, b1, W2, b2, Wp, bp):
    B = user_id.shape[0]
    uid = user_id.astype(jnp.int32)
    iid = item_id.astype(jnp.int32)
    pos = jnp.arange(B, dtype=jnp.int32)
    su, ou = lax.sort_key_val(uid, pos)
    si, oi = lax.sort_key_val(iid, pos)
    V0 = P.shape[0]
    t0 = ((V0 - 2) // WIN) * WIN
    tpad = ((0, 0), (0, TAILW - (V0 - t0)))
    TP, TU, TQ, TV = (jnp.pad(T[:, t0:], tpad) for T in (P.T, U.T, Q.T, V.T))
    rows_u, rows_i = _sc_stream_gather(su, ou, si, oi, P.T, U.T, Q.T, V.T,
                                       TP, TU, TQ, TV)
    return _tc_head(rows_u, rows_i,
                    W1, b1[None, :], W2, b2[None, :], Wp, bp[None, :])

# --- scband reference (transcript-rebuilt; emitter-appended) ---
"""Pipeline reference for scband-neural-network-68101001445783 (READ-ONLY COPY).

The authoritative reference and input builder live on the scoring server;
editing this copy changes nothing except your own understanding.
"""

import jax, jax.numpy as jnp
import numpy as np

NUM_USERS = 1000000
NUM_ITEMS = 1000000
D = 64
HIDDEN = 128
B = 16384


def setup_inputs(seed: int = 0) -> dict:
    key = jax.random.key(seed)
    ks = jax.random.split(key, 12)
    user_id = jax.random.randint(ks[0], (B,), 0, NUM_USERS)
    item_id = jax.random.randint(ks[1], (B,), 0, NUM_ITEMS)
    P = jax.random.normal(ks[2], (NUM_USERS + 1, D), dtype=jnp.float32) * 0.05
    Q = jax.random.normal(ks[3], (NUM_ITEMS + 1, D), dtype=jnp.float32) * 0.05
    U = jax.random.normal(ks[4], (NUM_USERS + 1, D), dtype=jnp.float32) * 0.05
    V = jax.random.normal(ks[5], (NUM_ITEMS + 1, D), dtype=jnp.float32) * 0.05
    W1 = jax.random.normal(ks[6], (HIDDEN, 2 * D), dtype=jnp.float32) * 0.05
    b1 = jnp.zeros((HIDDEN,), dtype=jnp.float32)
    W2 = jax.random.normal(ks[7], (D, HIDDEN), dtype=jnp.float32) * 0.05
    b2 = jnp.zeros((D,), dtype=jnp.float32)
    Wp = jax.random.normal(ks[8], (1, 2 * D), dtype=jnp.float32) * 0.05
    bp = jnp.zeros((1,), dtype=jnp.float32)
    return {"user_id": user_id, "item_id": item_id, "P": P, "Q": Q, "U": U, "V": V,
            "W1": W1, "b1": b1, "W2": W2, "b2": b2, "Wp": Wp, "bp": bp}


def reference(user_id, item_id, P, Q, U, V, W1, b1, W2, b2, Wp, bp):
    # GMF branch: elementwise product of user/item MF embeddings
    p_mf = jnp.take(P, user_id, axis=0)
    q_mf = jnp.take(Q, item_id, axis=0)
    gmf = p_mf * q_mf
    # MLP branch (dropout is identity in eval mode)
    p_mlp = jnp.take(U, user_id, axis=0)
    q_mlp = jnp.take(V, item_id, axis=0)
    x = jnp.concatenate([p_mlp, q_mlp], axis=1)
    h = jax.nn.relu(x @ W1.T + b1)
    mlp = jax.nn.relu(h @ W2.T + b2)
    con_res = jnp.concatenate([gmf, mlp], axis=1)
    out = jax.nn.sigmoid(con_res @ Wp.T + bp)
    return out

if __name__ == "__main__":
    import jax
    _d = setup_inputs()
    print(jax.jit(kernel)(*tuple(_d.values())))

</pallas_src>

<mosaic_0001>
#map = affine_map<(d0, d1) -> (0)>
#map1 = affine_map<(d0, d1) -> (0, 0)>
module attributes {stable_mosaic.version = 14 : i64} {
  func.func @gather_kernel(%arg0: i32, %arg1: i32, %arg2: memref<16384xi32, #tpu.memory_space<hbm>>, %arg3: memref<16384xi32, #tpu.memory_space<hbm>>, %arg4: memref<16384xi32, #tpu.memory_space<hbm>>, %arg5: memref<16384xi32, #tpu.memory_space<hbm>>, %arg6: memref<64x1000001xf32, #tpu.memory_space<hbm>>, %arg7: memref<64x1000001xf32, #tpu.memory_space<hbm>>, %arg8: memref<64x1000001xf32, #tpu.memory_space<hbm>>, %arg9: memref<64x1000001xf32, #tpu.memory_space<hbm>>, %arg10: memref<64x384xf32, #tpu.memory_space<hbm>>, %arg11: memref<64x384xf32, #tpu.memory_space<hbm>>, %arg12: memref<64x384xf32, #tpu.memory_space<hbm>>, %arg13: memref<64x384xf32, #tpu.memory_space<hbm>>, %arg14: memref<16384x128xf32, #tpu.memory_space<hbm>>, %arg15: memref<16384x128xf32, #tpu.memory_space<hbm>>, %arg16: memref<528xi32, #tpu.memory_space<vmem>>, %arg17: memref<512xi32, #tpu.memory_space<vmem>>, %arg18: memref<64x768xf32, #tpu.memory_space<vmem>>, %arg19: memref<64x768xf32, #tpu.memory_space<vmem>>, %arg20: memref<128x128xf32, #tpu.memory_space<vmem>>, %arg21: memref<!tpu.dma_semaphore, #tpu.memory_space<semaphore_mem>>, %arg22: memref<!tpu.dma_semaphore, #tpu.memory_space<semaphore_mem>>) attributes {dimension_semantics = [#tpu.dimension_semantics<core_parallel>, #tpu.dimension_semantics<subcore_parallel>], iteration_bounds = array<i64: 2, 16>, scalar_prefetch = 0 : i64, scratch_operands = 7 : i64, tpu.core_type = #tpu.core_type<sc_vector_subcore>, window_params = [{transform_indices = #map}, {transform_indices = #map}, {transform_indices = #map}, {transform_indices = #map}, {transform_indices = #map1}, {transform_indices = #map1}, {transform_indices = #map1}, {transform_indices = #map1}, {transform_indices = #map1}, {transform_indices = #map1}, {transform_indices = #map1}, {transform_indices = #map1}, {transform_indices = #map1}, {transform_indices = #map1}]} {
    %mul3A = arith.constant 2 : i32
    %mul3A_0 = arith.muli %arg1, %mul3A : i32
    %add3A = arith.addi %mul3A_0, %arg0 : i32
    %mul3A_1 = arith.constant 512 : i32
    %mul3A_2 = arith.muli %add3A, %mul3A_1 : i32
    "tpu.region"() ({
      %run_scoped3A = tpu.sem_alloc : memref<!tpu.dma_semaphore, #tpu.memory_space<semaphore_mem>>
      %dma_start3A = arith.constant 0 : i32
      %dma_start3A_16 = tpu.memref_slice %arg16[%dma_start3A] : memref<528xi32, #tpu.memory_space<vmem>> -> memref<512xi32, #tpu.memory_space<vmem>>
      %dma_start3A_17 = tpu.memref_slice %arg2[%mul3A_2] : memref<16384xi32, #tpu.memory_space<hbm>> -> memref<512xi32, #tpu.memory_space<hbm>>
      %dma_start3A_18 = arith.constant 0 : i32
      %dma_start3A_19 = tpu.memref_slice %arg16[%dma_start3A_18] : memref<528xi32, #tpu.memory_space<vmem>> -> memref<512xi32, #tpu.memory_space<vmem>>
      %dma_start3A_20 = tpu.memref_slice %arg2[%mul3A_2] : memref<16384xi32, #tpu.memory_space<hbm>> -> memref<512xi32, #tpu.memory_space<hbm>>
      tpu.enqueue_dma source(%dma_start3A_20 : memref<512xi32, #tpu.memory_space<hbm>>) target(%dma_start3A_19 : memref<512xi32, #tpu.memory_space<vmem>>) target_semaphore(%run_scoped3A : memref<!tpu.dma_semaphore, #tpu.memory_space<semaphore_mem>>)
      %dma_wait3A = arith.constant 0 : i32
      %dma_wait3A_21 = tpu.memref_slice %arg16[%dma_wait3A] : memref<528xi32, #tpu.memory_space<vmem>> -> memref<512xi32, #tpu.memory_space<vmem>>
      %dma_wait3A_22 = tpu.memref_slice %arg2[%mul3A_2] : memref<16384xi32, #tpu.memory_space<hbm>> -> memref<512xi32, #tpu.memory_space<hbm>>
      %dma_wait3A_23 = arith.constant 0 : i32
      %dma_wait3A_24 = tpu.memref_slice %arg16[%dma_wait3A_23] : memref<528xi32, #tpu.memory_space<vmem>> -> memref<512xi32, #tpu.memory_space<vmem>>
      %dma_wait3A_25 = tpu.memref_slice %arg2[%mul3A_2] : memref<16384xi32, #tpu.memory_space<hbm>> -> memref<512xi32, #tpu.memory_space<hbm>>
      tpu.wait_dma2 semaphore(%run_scoped3A : memref<!tpu.dma_semaphore, #tpu.memory_space<semaphore_mem>>) src(%dma_wait3A_25 : memref<512xi32, #tpu.memory_space<hbm>>) dst(%dma_wait3A_24 : memref<512xi32, #tpu.memory_space<vmem>>)
      tpu.yield
    }) : () -> ()
    "tpu.region"() ({
      %run_scoped3A = tpu.sem_alloc : memref<!tpu.dma_semaphore, #tpu.memory_space<semaphore_mem>>
      %dma_start3A = tpu.memref_slice %arg3[%mul3A_2] : memref<16384xi32, #tpu.memory_space<hbm>> -> memref<512xi32, #tpu.memory_space<hbm>>
      %dma_start3A_16 = tpu.memref_slice %arg3[%mul3A_2] : memref<16384xi32, #tpu.memory_space<hbm>> -> memref<512xi32, #tpu.memory_space<hbm>>
      tpu.enqueue_dma source(%dma_start3A_16 : memref<512xi32, #tpu.memory_space<hbm>>) target(%arg17 : memref<512xi32, #tpu.memory_space<vmem>>) target_semaphore(%run_scoped3A : memref<!tpu.dma_semaphore, #tpu.memory_space<semaphore_mem>>)
      %dma_wait3A = tpu.memref_slice %arg3[%mul3A_2] : memref<16384xi32, #tpu.memory_space<hbm>> -> memref<512xi32, #tpu.memory_space<hbm>>
      %dma_wait3A_17 = tpu.memref_slice %arg3[%mul3A_2] : memref<16384xi32, #tpu.memory_space<hbm>> -> memref<512xi32, #tpu.memory_space<hbm>>
      tpu.wait_dma2 semaphore(%run_scoped3A : memref<!tpu.dma_semaphore, #tpu.memory_space<semaphore_mem>>) src(%dma_wait3A_17 : memref<512xi32, #tpu.memory_space<hbm>>) dst(%arg17 : memref<512xi32, #tpu.memory_space<vmem>>)
      tpu.yield
    }) : () -> ()
    %scan3A = arith.constant -1 : i32
    %scan3A_3 = arith.constant 0 : i32
    %scan3A_4 = arith.constant 4 : i32
    %scan3A_5 = arith.addi %scan3A_3, %scan3A_4 : i32
    %scan3A_6 = arith.constant 1 : i32
    %scan3A_7 = scf.for %scan3A_16 = %scan3A_3 to %scan3A_5 step %scan3A_6 iter_args(%scan3A_17 = %scan3A) -> (i32)  : i32 {
      %scan3A_18 = arith.constant 0 : i32
      %scan3A_19 = arith.constant 128 : i32
      %scan3A_20 = arith.addi %scan3A_18, %scan3A_19 : i32
      %scan3A_21 = arith.constant 1 : i32
      %scan3A_22 = scf.for %scan3A_26 = %scan3A_18 to %scan3A_20 step %scan3A_21 iter_args(%scan3A_27 = %scan3A_17) -> (i32)  : i32 {
        %mul3A_28 = arith.constant 128 : i32
        %mul3A_29 = arith.muli %scan3A_16, %mul3A_28 : i32
        %add3A_30 = arith.addi %mul3A_29, %scan3A_26 : i32
        %get3A = arith.index_cast %add3A_30 : i32 to index
        %get3A_31 = tpu.vector_load %arg16[%get3A] {strides = array<i32>} : memref<528xi32, #tpu.memory_space<vmem>>, vector<16xi32>,
        %slice3A = vector.extract_strided_slice %get3A_31 {offsets = [0], sizes = [1], strides = [1]} : vector<16xi32> to vector<1xi32>
        %squeeze3A = vector.extract %slice3A[0] : i32 from vector<1xi32>
        %min3A = arith.constant 999999 : i32
        %min3A_32 = arith.minsi %squeeze3A, %min3A : i32
        %div3A = arith.constant 768 : i32
        %div3A_33 = arith.divsi %min3A_32, %div3A : i32
        %ne3A = arith.cmpi ne, %div3A_33, %scan3A_27 : i32
        %lt3A = arith.constant 1302 : i32
        %lt3A_34 = arith.cmpi slt, %div3A_33, %lt3A : i32
        %and3A = arith.andi %ne3A, %lt3A_34 : i1
        %convert_element_type3A = arith.extui %and3A : i1 to i32
        %cond3A = arith.constant 0 : i32
        %cond3A_35 = arith.cmpi ne, %convert_element_type3A, %cond3A : i32
        scf.if %cond3A_35 {
          %mul3A_84 = arith.constant 768 : i32
          %mul3A_85 = arith.muli %div3A_33, %mul3A_84 : i32
          %multiple_of3A = tpu.assume_multiple %mul3A_85, 768 : i32
          %dma_start3A = arith.constant 0 : i32
          %dma_start3A_86 = tpu.memref_slice %arg6[%dma_start3A, %multiple_of3A] : memref<64x1000001xf32, #tpu.memory_space<hbm>> -> memref<64x768xf32, #tpu.memory_space<hbm>>
          %dma_start3A_87 = arith.constant 0 : i32
          %dma_start3A_88 = tpu.memref_slice %arg6[%dma_start3A_87, %multiple_of3A] : memref<64x1000001xf32, #tpu.memory_space<hbm>> -> memref<64x768xf32, #tpu.memory_space<hbm>>
          tpu.enqueue_dma source(%dma_start3A_88 : memref<64x768xf32, #tpu.memory_space<hbm>>) target(%arg18 : memref<64x768xf32, #tpu.memory_space<vmem>>) target_semaphore(%arg21 : memref<!tpu.dma_semaphore, #tpu.memory_space<semaphore_mem>>)
          %dma_start3A_89 = arith.constant 0 : i32
          %dma_start3A_90 = tpu.memref_slice %arg7[%dma_start3A_89, %multiple_of3A] : memref<64x1000001xf32, #tpu.memory_space<hbm>> -> memref<64x768xf32, #tpu.memory_space<hbm>>
          %dma_start3A_91 = arith.constant 0 : i32
          %dma_start3A_92 = tpu.memref_slice %arg7[%dma_start3A_91, %multiple_of3A] : memref<64x1000001xf32, #tpu.memory_space<hbm>> -> memref<64x768xf32, #tpu.memory_space<hbm>>
          tpu.enqueue_dma source(%dma_start3A_92 : memref<64x768xf32, #tpu.memory_space<hbm>>) target(%arg19 : memref<64x768xf32, #tpu.memory_space<vmem>>) target_semaphore(%arg22 : memref<!tpu.dma_semaphore, #tpu.memory_space<semaphore_mem>>)
          %dma_wait3A = arith.constant 0 : i32
          %dma_wait3A_93 = tpu.memref_slice %arg6[%dma_wait3A, %multiple_of3A] : memref<64x1000001xf32, #tpu.memory_space<hbm>> -> memref<64x768xf32, #tpu.memory_space<hbm>>
          %dma_wait3A_94 = arith.constant 0 : i32
          %dma_wait3A_95 = tpu.memref_slice %arg6[%dma_wait3A_94, %multiple_of3A] : memref<64x1000001xf32, #tpu.memory_space<hbm>> -> memref<64x768xf32, #tpu.memory_space<hbm>>
          tpu.wait_dma2 semaphore(%arg21 : memref<!tpu.dma_semaphore, #tpu.memory_space<semaphore_mem>>) src(%dma_wait3A_95 : memref<64x768xf32, #tpu.memory_space<hbm>>) dst(%arg18 : memref<64x768xf32, #tpu.memory_space<vmem>>)
          %dma_wait3A_96 = arith.constant 0 : i32
          %dma_wait3A_97 = tpu.memref_slice %arg7[%dma_wait3A_96, %multiple_of3A] : memref<64x1000001xf32, #tpu.memory_space<hbm>> -> memref<64x768xf32, #tpu.memory_space<hbm>>
          %dma_wait3A_98 = arith.constant 0 : i32
          %dma_wait3A_99 = tpu.memref_slice %arg7[%dma_wait3A_98, %multiple_of3A] : memref<64x1000001xf32, #tpu.memory_space<hbm>> -> memref<64x768xf32, #tpu.memory_space<hbm>>
          tpu.wait_dma2 semaphore(%arg22 : memref<!tpu.dma_semaphore, #tpu.memory_space<semaphore_mem>>) src(%dma_wait3A_99 : memref<64x768xf32, #tpu.memory_space<hbm>>) dst(%arg19 : memref<64x768xf32, #tpu.memory_space<vmem>>)
        } else {
        }
        %ge3A = arith.constant 1302 : i32
        %ge3A_36 = arith.cmpi sge, %div3A_33, %ge3A : i32
        %and3A_37 = arith.andi %ne3A, %ge3A_36 : i1
        %convert_element_type3A_38 = arith.extui %and3A_37 : i1 to i32
        %cond3A_39 = arith.constant 0 : i32
        %cond3A_40 = arith.cmpi ne, %convert_element_type3A_38, %cond3A_39 : i32
        scf.if %cond3A_40 {
          %dma_start3A = arith.constant 0 : i32
          %dma_start3A_84 = arith.constant 0 : i32
          %dma_start3A_85 = tpu.memref_slice %arg18[%dma_start3A, %dma_start3A_84] : memref<64x768xf32, #tpu.memory_space<vmem>> -> memref<64x384xf32, #tpu.memory_space<vmem>>
          %dma_start3A_86 = arith.constant 0 : i32
          %dma_start3A_87 = arith.constant 0 : i32
          %dma_start3A_88 = tpu.memref_slice %arg18[%dma_start3A_86, %dma_start3A_87] : memref<64x768xf32, #tpu.memory_space<vmem>> -> memref<64x384xf32, #tpu.memory_space<vmem>>
          tpu.enqueue_dma source(%arg10 : memref<64x384xf32, #tpu.memory_space<hbm>>) target(%dma_start3A_88 : memref<64x384xf32, #tpu.memory_space<vmem>>) target_semaphore(%arg21 : memref<!tpu.dma_semaphore, #tpu.memory_space<semaphore_mem>>)
          %dma_start3A_89 = arith.constant 0 : i32
          %dma_start3A_90 = arith.constant 0 : i32
          %dma_start3A_91 = tpu.memref_slice %arg19[%dma_start3A_89, %dma_start3A_90] : memref<64x768xf32, #tpu.memory_space<vmem>> -> memref<64x384xf32, #tpu.memory_space<vmem>>
          %dma_start3A_92 = arith.constant 0 : i32
          %dma_start3A_93 = arith.constant 0 : i32
          %dma_start3A_94 = tpu.memref_slice %arg19[%dma_start3A_92, %dma_start3A_93] : memref<64x768xf32, #tpu.memory_space<vmem>> -> memref<64x384xf32, #tpu.memory_space<vmem>>
          tpu.enqueue_dma source(%arg11 : memref<64x384xf32, #tpu.memory_space<hbm>>) target(%dma_start3A_94 : memref<64x384xf32, #tpu.memory_space<vmem>>) target_semaphore(%arg22 : memref<!tpu.dma_semaphore, #tpu.memory_space<semaphore_mem>>)
          %dma_wait3A = arith.constant 0 : i32
          %dma_wait3A_95 = arith.constant 0 : i32
          %dma_wait3A_96 = tpu.memref_slice %arg18[%dma_wait3A, %dma_wait3A_95] : memref<64x768xf32, #tpu.memory_space<vmem>> -> memref<64x384xf32, #tpu.memory_space<vmem>>
          %dma_wait3A_97 = arith.constant 0 : i32
          %dma_wait3A_98 = arith.constant 0 : i32
          %dma_wait3A_99 = tpu.memref_slice %arg18[%dma_wait3A_97, %dma_wait3A_98] : memref<64x768xf32, #tpu.memory_space<vmem>> -> memref<64x384xf32, #tpu.memory_space<vmem>>
          tpu.wait_dma2 semaphore(%arg21 : memref<!tpu.dma_semaphore, #tpu.memory_space<semaphore_mem>>) src(%arg10 : memref<64x384xf32, #tpu.memory_space<hbm>>) dst(%dma_wait3A_99 : memref<64x384xf32, #tpu.memory_space<vmem>>)
          %dma_wait3A_100 = arith.constant 0 : i32
          %dma_wait3A_101 = arith.constant 0 : i32
          %dma_wait3A_102 = tpu.memref_slice %arg19[%dma_wait3A_100, %dma_wait3A_101] : memref<64x768xf32, #tpu.memory_space<vmem>> -> memref<64x384xf32, #tpu.memory_space<vmem>>
          %dma_wait3A_103 = arith.constant 0 : i32
          %dma_wait3A_104 = arith.constant 0 : i32
          %dma_wait3A_105 = tpu.memref_slice %arg19[%dma_wait3A_103, %dma_wait3A_104] : memref<64x768xf32, #tpu.memory_space<vmem>> -> memref<64x384xf32, #tpu.memory_space<vmem>>
          tpu.wait_dma2 semaphore(%arg22 : memref<!tpu.dma_semaphore, #tpu.memory_space<semaphore_mem>>) src(%arg11 : memref<64x384xf32, #tpu.memory_space<hbm>>) dst(%dma_wait3A_105 : memref<64x384xf32, #tpu.memory_space<vmem>>)
        } else {
        }
        %rem3A = arith.constant 768 : i32
        %rem3A_41 = arith.remsi %min3A_32, %rem3A : i32
        %broadcast_in_dim3A = vector.broadcast %rem3A_41 : i32 to vector<16xi32>
        %iota3A = tpu.iota {dimensions = array<i32: 0>} : vector<16xi32>
        %gather3A = tpu.vector_load_idx %arg18[%iota3A, %broadcast_in_dim3A] : memref<64x768xf32, #tpu.memory_space<vmem>>[vector<16xi32>, vector<16xi32>], vector<16xf32>,
        %swap3A = arith.index_cast %scan3A_26 : i32 to index
        %swap3A_42 = arith.constant 0 : index
        %swap3A_43 = tpu.vector_load %arg20[%swap3A, %swap3A_42] {strides = array<i32>} : memref<128x128xf32, #tpu.memory_space<vmem>>, vector<16xf32>,
        tpu.vector_store %arg20[%swap3A, %swap3A_42], %gather3A {strides = array<i32>} : memref<128x128xf32, #tpu.memory_space<vmem>>, vector<16xf32>,
        %gather3A_44 = tpu.vector_load_idx %arg19[%iota3A, %broadcast_in_dim3A] : memref<64x768xf32, #tpu.memory_space<vmem>>[vector<16xi32>, vector<16xi32>], vector<16xf32>,
        %swap3A_45 = arith.index_cast %scan3A_26 : i32 to index
        %swap3A_46 = arith.constant 64 : index
        %swap3A_47 = tpu.vector_load %arg20[%swap3A_45, %swap3A_46] {strides = array<i32>} : memref<128x128xf32, #tpu.memory_space<vmem>>, vector<16xf32>,
        tpu.vector_store %arg20[%swap3A_45, %swap3A_46], %gather3A_44 {strides = array<i32>} : memref<128x128xf32, #tpu.memory_space<vmem>>, vector<16xf32>,
        %iota3A_48 = tpu.iota {dimensions = array<i32: 0>} : vector<16xi32>
        %add3A_49 = arith.constant 16 : i32
        %add3A_50 = vector.broadcast %add3A_49 : i32 to vector<16xi32>
        %add3A_51 = arith.addi %add3A_50, %iota3A_48 : vector<16xi32>
        %gather3A_52 = tpu.vector_load_idx %arg18[%add3A_51, %broadcast_in_dim3A] : memref<64x768xf32, #tpu.memory_space<vmem>>[vector<16xi32>, vector<16xi32>], vector<16xf32>,
        %swap3A_53 = arith.index_cast %scan3A_26 : i32 to index
        %swap3A_54 = arith.constant 16 : index
        %swap3A_55 = tpu.vector_load %arg20[%swap3A_53, %swap3A_54] {strides = array<i32>} : memref<128x128xf32, #tpu.memory_space<vmem>>, vector<16xf32>,
        tpu.vector_store %arg20[%swap3A_53, %swap3A_54], %gather3A_52 {strides = array<i32>} : memref<128x128xf32, #tpu.memory_space<vmem>>, vector<16xf32>,
        %gather3A_56 = tpu.vector_load_idx %arg19[%add3A_51, %broadcast_in_dim3A] : memref<64x768xf32, #tpu.memory_space<vmem>>[vector<16xi32>, vector<16xi32>], vector<16xf32>,
        %swap3A_57 = arith.index_cast %scan3A_26 : i32 to index
        %swap3A_58 = arith.constant 80 : index
        %swap3A_59 = tpu.vector_load %arg20[%swap3A_57, %swap3A_58] {strides = array<i32>} : memref<128x128xf32, #tpu.memory_space<vmem>>, vector<16xf32>,
        tpu.vector_store %arg20[%swap3A_57, %swap3A_58], %gather3A_56 {strides = array<i32>} : memref<128x128xf32, #tpu.memory_space<vmem>>, vector<16xf32>,
        %iota3A_60 = tpu.iota {dimensions = array<i32: 0>} : vector<16xi32>
        %add3A_61 = arith.constant 32 : i32
        %add3A_62 = vector.broadcast %add3A_61 : i32 to vector<16xi32>
        %add3A_63 = arith.addi %add3A_62, %iota3A_60 : vector<16xi32>
        %gather3A_64 = tpu.vector_load_idx %arg18[%add3A_63, %broadcast_in_dim3A] : memref<64x768xf32, #tpu.memory_space<vmem>>[vector<16xi32>, vector<16xi32>], vector<16xf32>,
        %swap3A_65 = arith.index_cast %scan3A_26 : i32 to index
        %swap3A_66 = arith.constant 32 : index
        %swap3A_67 = tpu.vector_load %arg20[%swap3A_65, %swap3A_66] {strides = array<i32>} : memref<128x128xf32, #tpu.memory_space<vmem>>, vector<16xf32>,
        tpu.vector_store %arg20[%swap3A_65, %swap3A_66], %gather3A_64 {strides = array<i32>} : memref<128x128xf32, #tpu.memory_space<vmem>>, vector<16xf32>,
        %gather3A_68 = tpu.vector_load_idx %arg19[%add3A_63, %broadcast_in_dim3A] : memref<64x768xf32, #tpu.memory_space<vmem>>[vector<16xi32>, vector<16xi32>], vector<16xf32>,
        %swap3A_69 = arith.index_cast %scan3A_26 : i32 to index
        %swap3A_70 = arith.constant 96 : index
        %swap3A_71 = tpu.vector_load %arg20[%swap3A_69, %swap3A_70] {strides = array<i32>} : memref<128x128xf32, #tpu.memory_space<vmem>>, vector<16xf32>,
        tpu.vector_store %arg20[%swap3A_69, %swap3A_70], %gather3A_68 {strides = array<i32>} : memref<128x128xf32, #tpu.memory_space<vmem>>, vector<16xf32>,
        %iota3A_72 = tpu.iota {dimensions = array<i32: 0>} : vector<16xi32>
        %add3A_73 = arith.constant 48 : i32
        %add3A_74 = vector.broadcast %add3A_73 : i32 to vector<16xi32>
        %add3A_75 = arith.addi %add3A_74, %iota3A_72 : vector<16xi32>
        %gather3A_76 = tpu.vector_load_idx %arg18[%add3A_75, %broadcast_in_dim3A] : memref<64x768xf32, #tpu.memory_space<vmem>>[vector<16xi32>, vector<16xi32>], vector<16xf32>,
        %swap3A_77 = arith.index_cast %scan3A_26 : i32 to index
        %swap3A_78 = arith.constant 48 : index
        %swap3A_79 = tpu.vector_load %arg20[%swap3A_77, %swap3A_78] {strides = array<i32>} : memref<128x128xf32, #tpu.memory_space<vmem>>, vector<16xf32>,
        tpu.vector_store %arg20[%swap3A_77, %swap3A_78], %gather3A_76 {strides = array<i32>} : memref<128x128xf32, #tpu.memory_space<vmem>>, vector<16xf32>,
        %gather3A_80 = tpu.vector_load_idx %arg19[%add3A_75, %broadcast_in_dim3A] : memref<64x768xf32, #tpu.memory_space<vmem>>[vector<16xi32>, vector<16xi32>], vector<16xf32>,
        %swap3A_81 = arith.index_cast %scan3A_26 : i32 to index
        %swap3A_82 = arith.constant 112 : index
        %swap3A_83 = tpu.vector_load %arg20[%swap3A_81, %swap3A_82] {strides = array<i32>} : memref<128x128xf32, #tpu.memory_space<vmem>>, vector<16xf32>,
        tpu.vector_store %arg20[%swap3A_81, %swap3A_82], %gather3A_80 {strides = array<i32>} : memref<128x128xf32, #tpu.memory_space<vmem>>, vector<16xf32>,
        scf.yield %div3A_33 : i32
      }
      %scan3A_23 = arith.constant 128 : i32
      %mul3A_24 = arith.constant 128 : i32
      %mul3A_25 = arith.muli %scan3A_16, %mul3A_24 : i32
      "tpu.region"() ({
        %run_scoped3A = tpu.sem_alloc : memref<!tpu.dma_semaphore, #tpu.memory_space<semaphore_mem>>
        %dma_start3A = tpu.memref_slice %arg17[%mul3A_25] : memref<512xi32, #tpu.memory_space<vmem>> -> memref<128xi32, #tpu.memory_space<vmem>>
        %dma_start3A_26 = arith.constant 0 : i32
        %dma_start3A_27 = arith.constant 0 : i32
        %dma_start3A_28 = tpu.memref_slice %arg14[%dma_start3A_26, %dma_start3A_27] : memref<16384x128xf32, #tpu.memory_space<hbm>> -> memref<16384x128xf32, #tpu.memory_space<hbm>>
        tpu.enqueue_indirect_dma source(%arg20 : memref<128x128xf32, #tpu.memory_space<vmem>>) target(%dma_start3A_28 : memref<16384x128xf32, #tpu.memory_space<hbm>>) offsets(%dma_start3A : memref<128xi32, #tpu.memory_space<vmem>>) semaphore(%run_scoped3A : memref<!tpu.dma_semaphore, #tpu.memory_space<semaphore_mem>>)
        %dma_wait3A = tpu.memref_slice %arg17[%mul3A_25] : memref<512xi32, #tpu.memory_space<vmem>> -> memref<128xi32, #tpu.memory_space<vmem>>
        %dma_wait3A_29 = arith.constant 0 : i32
        %dma_wait3A_30 = arith.constant 0 : i32
        %dma_wait3A_31 = tpu.memref_slice %arg14[%dma_wait3A_29, %dma_wait3A_30] : memref<16384x128xf32, #tpu.memory_space<hbm>> -> memref<16384x128xf32, #tpu.memory_space<hbm>>
        tpu.wait_indirect_dma semaphore(%run_scoped3A : memref<!tpu.dma_semaphore, #tpu.memory_space<semaphore_mem>>) src(%arg20 : memref<128x128xf32, #tpu.memory_space<vmem>>) dst(%dma_wait3A_31 : memref<16384x128xf32, #tpu.memory_space<hbm>>)
        tpu.yield
      }) : () -> ()
      scf.yield %scan3A_22 : i32
    }
    %scan3A_8 = arith.constant 4 : i32
    "tpu.region"() ({
      %run_scoped3A = tpu.sem_alloc : memref<!tpu.dma_semaphore, #tpu.memory_space<semaphore_mem>>
      %dma_start3A = arith.constant 0 : i32
      %dma_start3A_16 = tpu.memref_slice %arg16[%dma_start3A] : memref<528xi32, #tpu.memory_space<vmem>> -> memref<512xi32, #tpu.memory_space<vmem>>
      %dma_start3A_17 = tpu.memref_slice %arg4[%mul3A_2] : memref<16384xi32, #tpu.memory_space<hbm>> -> memref<512xi32, #tpu.memory_space<hbm>>
      %dma_start3A_18 = arith.constant 0 : i32
      %dma_start3A_19 = tpu.memref_slice %arg16[%dma_start3A_18] : memref<528xi32, #tpu.memory_space<vmem>> -> memref<512xi32, #tpu.memory_space<vmem>>
      %dma_start3A_20 = tpu.memref_slice %arg4[%mul3A_2] : memref<16384xi32, #tpu.memory_space<hbm>> -> memref<512xi32, #tpu.memory_space<hbm>>
      tpu.enqueue_dma source(%dma_start3A_20 : memref<512xi32, #tpu.memory_space<hbm>>) target(%dma_start3A_19 : memref<512xi32, #tpu.memory_space<vmem>>) target_semaphore(%run_scoped3A : memref<!tpu.dma_semaphore, #tpu.memory_space<semaphore_mem>>)
      %dma_wait3A = arith.constant 0 : i32
      %dma_wait3A_21 = tpu.memref_slice %arg16[%dma_wait3A] : memref<528xi32, #tpu.memory_space<vmem>> -> memref<512xi32, #tpu.memory_space<vmem>>
      %dma_wait3A_22 = tpu.memref_slice %arg4[%mul3A_2] : memref<16384xi32, #tpu.memory_space<hbm>> -> memref<512xi32, #tpu.memory_space<hbm>>
      %dma_wait3A_23 = arith.constant 0 : i32
      %dma_wait3A_24 = tpu.memref_slice %arg16[%dma_wait3A_23] : memref<528xi32, #tpu.memory_space<vmem>> -> memref<512xi32, #tpu.memory_space<vmem>>
      %dma_wait3A_25 = tpu.memref_slice %arg4[%mul3A_2] : memref<16384xi32, #tpu.memory_space<hbm>> -> memref<512xi32, #tpu.memory_space<hbm>>
      tpu.wait_dma2 semaphore(%run_scoped3A : memref<!tpu.dma_semaphore, #tpu.memory_space<semaphore_mem>>) src(%dma_wait3A_25 : memref<512xi32, #tpu.memory_space<hbm>>) dst(%dma_wait3A_24 : memref<512xi32, #tpu.memory_space<vmem>>)
      tpu.yield
    }) : () -> ()
    "tpu.region"() ({
      %run_scoped3A = tpu.sem_alloc : memref<!tpu.dma_semaphore, #tpu.memory_space<semaphore_mem>>
      %dma_start3A = tpu.memref_slice %arg5[%mul3A_2] : memref<16384xi32, #tpu.memory_space<hbm>> -> memref<512xi32, #tpu.memory_space<hbm>>
      %dma_start3A_16 = tpu.memref_slice %arg5[%mul3A_2] : memref<16384xi32, #tpu.memory_space<hbm>> -> memref<512xi32, #tpu.memory_space<hbm>>
      tpu.enqueue_dma source(%dma_start3A_16 : memref<512xi32, #tpu.memory_space<hbm>>) target(%arg17 : memref<512xi32, #tpu.memory_space<vmem>>) target_semaphore(%run_scoped3A : memref<!tpu.dma_semaphore, #tpu.memory_space<semaphore_mem>>)
      %dma_wait3A = tpu.memref_slice %arg5[%mul3A_2] : memref<16384xi32, #tpu.memory_space<hbm>> -> memref<512xi32, #tpu.memory_space<hbm>>
      %dma_wait3A_17 = tpu.memref_slice %arg5[%mul3A_2] : memref<16384xi32, #tpu.memory_space<hbm>> -> memref<512xi32, #tpu.memory_space<hbm>>
      tpu.wait_dma2 semaphore(%run_scoped3A : memref<!tpu.dma_semaphore, #tpu.memory_space<semaphore_mem>>) src(%dma_wait3A_17 : memref<512xi32, #tpu.memory_space<hbm>>) dst(%arg17 : memref<512xi32, #tpu.memory_space<vmem>>)
      tpu.yield
    }) : () -> ()
    %scan3A_9 = arith.constant -1 : i32
    %scan3A_10 = arith.constant 0 : i32
    %scan3A_11 = arith.constant 4 : i32
    %scan3A_12 = arith.addi %scan3A_10, %scan3A_11 : i32
    %scan3A_13 = arith.constant 1 : i32
    %scan3A_14 = scf.for %scan3A_16 = %scan3A_10 to %scan3A_12 step %scan3A_13 iter_args(%scan3A_17 = %scan3A_9) -> (i32)  : i32 {
      %scan3A_18 = arith.constant 0 : i32
      %scan3A_19 = arith.constant 128 : i32
      %scan3A_20 = arith.addi %scan3A_18, %scan3A_19 : i32
      %scan3A_21 = arith.constant 1 : i32
      %scan3A_22 = scf.for %scan3A_26 = %scan3A_18 to %scan3A_20 step %scan3A_21 iter_args(%scan3A_27 = %scan3A_17) -> (i32)  : i32 {
        %mul3A_28 = arith.constant 128 : i32
        %mul3A_29 = arith.muli %scan3A_16, %mul3A_28 : i32
        %add3A_30 = arith.addi %mul3A_29, %scan3A_26 : i32
        %get3A = arith.index_cast %add3A_30 : i32 to index
        %get3A_31 = tpu.vector_load %arg16[%get3A] {strides = array<i32>} : memref<528xi32, #tpu.memory_space<vmem>>, vector<16xi32>,
        %slice3A = vector.extract_strided_slice %get3A_31 {offsets = [0], sizes = [1], strides = [1]} : vector<16xi32> to vector<1xi32>
        %squeeze3A = vector.extract %slice3A[0] : i32 from vector<1xi32>
        %min3A = arith.constant 999999 : i32
        %min3A_32 = arith.minsi %squeeze3A, %min3A : i32
        %div3A = arith.constant 768 : i32
        %div3A_33 = arith.divsi %min3A_32, %div3A : i32
        %ne3A = arith.cmpi ne, %div3A_33, %scan3A_27 : i32
        %lt3A = arith.constant 1302 : i32
        %lt3A_34 = arith.cmpi slt, %div3A_33, %lt3A : i32
        %and3A = arith.andi %ne3A, %lt3A_34 : i1
        %convert_element_type3A = arith.extui %and3A : i1 to i32
        %cond3A = arith.constant 0 : i32
        %cond3A_35 = arith.cmpi ne, %convert_element_type3A, %cond3A : i32
        scf.if %cond3A_35 {
          %mul3A_84 = arith.constant 768 : i32
          %mul3A_85 = arith.muli %div3A_33, %mul3A_84 : i32
          %multiple_of3A = tpu.assume_multiple %mul3A_85, 768 : i32
          %dma_start3A = arith.constant 0 : i32
          %dma_start3A_86 = tpu.memref_slice %arg8[%dma_start3A, %multiple_of3A] : memref<64x1000001xf32, #tpu.memory_space<hbm>> -> memref<64x768xf32, #tpu.memory_space<hbm>>
          %dma_start3A_87 = arith.constant 0 : i32
          %dma_start3A_88 = tpu.memref_slice %arg8[%dma_start3A_87, %multiple_of3A] : memref<64x1000001xf32, #tpu.memory_space<hbm>> -> memref<64x768xf32, #tpu.memory_space<hbm>>
          tpu.enqueue_dma source(%dma_start3A_88 : memref<64x768xf32, #tpu.memory_space<hbm>>) target(%arg18 : memref<64x768xf32, #tpu.memory_space<vmem>>) target_semaphore(%arg21 : memref<!tpu.dma_semaphore, #tpu.memory_space<semaphore_mem>>)
          %dma_start3A_89 = arith.constant 0 : i32
          %dma_start3A_90 = tpu.memref_slice %arg9[%dma_start3A_89, %multiple_of3A] : memref<64x1000001xf32, #tpu.memory_space<hbm>> -> memref<64x768xf32, #tpu.memory_space<hbm>>
          %dma_start3A_91 = arith.constant 0 : i32
          %dma_start3A_92 = tpu.memref_slice %arg9[%dma_start3A_91, %multiple_of3A] : memref<64x1000001xf32, #tpu.memory_space<hbm>> -> memref<64x768xf32, #tpu.memory_space<hbm>>
          tpu.enqueue_dma source(%dma_start3A_92 : memref<64x768xf32, #tpu.memory_space<hbm>>) target(%arg19 : memref<64x768xf32, #tpu.memory_space<vmem>>) target_semaphore(%arg22 : memref<!tpu.dma_semaphore, #tpu.memory_space<semaphore_mem>>)
          %dma_wait3A = arith.constant 0 : i32
          %dma_wait3A_93 = tpu.memref_slice %arg8[%dma_wait3A, %multiple_of3A] : memref<64x1000001xf32, #tpu.memory_space<hbm>> -> memref<64x768xf32, #tpu.memory_space<hbm>>
          %dma_wait3A_94 = arith.constant 0 : i32
          %dma_wait3A_95 = tpu.memref_slice %arg8[%dma_wait3A_94, %multiple_of3A] : memref<64x1000001xf32, #tpu.memory_space<hbm>> -> memref<64x768xf32, #tpu.memory_space<hbm>>
          tpu.wait_dma2 semaphore(%arg21 : memref<!tpu.dma_semaphore, #tpu.memory_space<semaphore_mem>>) src(%dma_wait3A_95 : memref<64x768xf32, #tpu.memory_space<hbm>>) dst(%arg18 : memref<64x768xf32, #tpu.memory_space<vmem>>)
          %dma_wait3A_96 = arith.constant 0 : i32
          %dma_wait3A_97 = tpu.memref_slice %arg9[%dma_wait3A_96, %multiple_of3A] : memref<64x1000001xf32, #tpu.memory_space<hbm>> -> memref<64x768xf32, #tpu.memory_space<hbm>>
          %dma_wait3A_98 = arith.constant 0 : i32
          %dma_wait3A_99 = tpu.memref_slice %arg9[%dma_wait3A_98, %multiple_of3A] : memref<64x1000001xf32, #tpu.memory_space<hbm>> -> memref<64x768xf32, #tpu.memory_space<hbm>>
          tpu.wait_dma2 semaphore(%arg22 : memref<!tpu.dma_semaphore, #tpu.memory_space<semaphore_mem>>) src(%dma_wait3A_99 : memref<64x768xf32, #tpu.memory_space<hbm>>) dst(%arg19 : memref<64x768xf32, #tpu.memory_space<vmem>>)
        } else {
        }
        %ge3A = arith.constant 1302 : i32
        %ge3A_36 = arith.cmpi sge, %div3A_33, %ge3A : i32
        %and3A_37 = arith.andi %ne3A, %ge3A_36 : i1
        %convert_element_type3A_38 = arith.extui %and3A_37 : i1 to i32
        %cond3A_39 = arith.constant 0 : i32
        %cond3A_40 = arith.cmpi ne, %convert_element_type3A_38, %cond3A_39 : i32
        scf.if %cond3A_40 {
          %dma_start3A = arith.constant 0 : i32
          %dma_start3A_84 = arith.constant 0 : i32
          %dma_start3A_85 = tpu.memref_slice %arg18[%dma_start3A, %dma_start3A_84] : memref<64x768xf32, #tpu.memory_space<vmem>> -> memref<64x384xf32, #tpu.memory_space<vmem>>
          %dma_start3A_86 = arith.constant 0 : i32
          %dma_start3A_87 = arith.constant 0 : i32
          %dma_start3A_88 = tpu.memref_slice %arg18[%dma_start3A_86, %dma_start3A_87] : memref<64x768xf32, #tpu.memory_space<vmem>> -> memref<64x384xf32, #tpu.memory_space<vmem>>
          tpu.enqueue_dma source(%arg12 : memref<64x384xf32, #tpu.memory_space<hbm>>) target(%dma_start3A_88 : memref<64x384xf32, #tpu.memory_space<vmem>>) target_semaphore(%arg21 : memref<!tpu.dma_semaphore, #tpu.memory_space<semaphore_mem>>)
          %dma_start3A_89 = arith.constant 0 : i32
          %dma_start3A_90 = arith.constant 0 : i32
          %dma_start3A_91 = tpu.memref_slice %arg19[%dma_start3A_89, %dma_start3A_90] : memref<64x768xf32, #tpu.memory_space<vmem>> -> memref<64x384xf32, #tpu.memory_space<vmem>>
          %dma_start3A_92 = arith.constant 0 : i32
          %dma_start3A_93 = arith.constant 0 : i32
          %dma_start3A_94 = tpu.memref_slice %arg19[%dma_start3A_92, %dma_start3A_93] : memref<64x768xf32, #tpu.memory_space<vmem>> -> memref<64x384xf32, #tpu.memory_space<vmem>>
          tpu.enqueue_dma source(%arg13 : memref<64x384xf32, #tpu.memory_space<hbm>>) target(%dma_start3A_94 : memref<64x384xf32, #tpu.memory_space<vmem>>) target_semaphore(%arg22 : memref<!tpu.dma_semaphore, #tpu.memory_space<semaphore_mem>>)
          %dma_wait3A = arith.constant 0 : i32
          %dma_wait3A_95 = arith.constant 0 : i32
          %dma_wait3A_96 = tpu.memref_slice %arg18[%dma_wait3A, %dma_wait3A_95] : memref<64x768xf32, #tpu.memory_space<vmem>> -> memref<64x384xf32, #tpu.memory_space<vmem>>
          %dma_wait3A_97 = arith.constant 0 : i32
          %dma_wait3A_98 = arith.constant 0 : i32
          %dma_wait3A_99 = tpu.memref_slice %arg18[%dma_wait3A_97, %dma_wait3A_98] : memref<64x768xf32, #tpu.memory_space<vmem>> -> memref<64x384xf32, #tpu.memory_space<vmem>>
          tpu.wait_dma2 semaphore(%arg21 : memref<!tpu.dma_semaphore, #tpu.memory_space<semaphore_mem>>) src(%arg12 : memref<64x384xf32, #tpu.memory_space<hbm>>) dst(%dma_wait3A_99 : memref<64x384xf32, #tpu.memory_space<vmem>>)
          %dma_wait3A_100 = arith.constant 0 : i32
          %dma_wait3A_101 = arith.constant 0 : i32
          %dma_wait3A_102 = tpu.memref_slice %arg19[%dma_wait3A_100, %dma_wait3A_101] : memref<64x768xf32, #tpu.memory_space<vmem>> -> memref<64x384xf32, #tpu.memory_space<vmem>>
          %dma_wait3A_103 = arith.constant 0 : i32
          %dma_wait3A_104 = arith.constant 0 : i32
          %dma_wait3A_105 = tpu.memref_slice %arg19[%dma_wait3A_103, %dma_wait3A_104] : memref<64x768xf32, #tpu.memory_space<vmem>> -> memref<64x384xf32, #tpu.memory_space<vmem>>
          tpu.wait_dma2 semaphore(%arg22 : memref<!tpu.dma_semaphore, #tpu.memory_space<semaphore_mem>>) src(%arg13 : memref<64x384xf32, #tpu.memory_space<hbm>>) dst(%dma_wait3A_105 : memref<64x384xf32, #tpu.memory_space<vmem>>)
        } else {
        }
        %rem3A = arith.constant 768 : i32
        %rem3A_41 = arith.remsi %min3A_32, %rem3A : i32
        %broadcast_in_dim3A = vector.broadcast %rem3A_41 : i32 to vector<16xi32>
        %iota3A = tpu.iota {dimensions = array<i32: 0>} : vector<16xi32>
        %gather3A = tpu.vector_load_idx %arg18[%iota3A, %broadcast_in_dim3A] : memref<64x768xf32, #tpu.memory_space<vmem>>[vector<16xi32>, vector<16xi32>], vector<16xf32>,
        %swap3A = arith.index_cast %scan3A_26 : i32 to index
        %swap3A_42 = arith.constant 0 : index
        %swap3A_43 = tpu.vector_load %arg20[%swap3A, %swap3A_42] {strides = array<i32>} : memref<128x128xf32, #tpu.memory_space<vmem>>, vector<16xf32>,
        tpu.vector_store %arg20[%swap3A, %swap3A_42], %gather3A {strides = array<i32>} : memref<128x128xf32, #tpu.memory_space<vmem>>, vector<16xf32>,
        %gather3A_44 = tpu.vector_load_idx %arg19[%iota3A, %broadcast_in_dim3A] : memref<64x768xf32, #tpu.memory_space<vmem>>[vector<16xi32>, vector<16xi32>], vector<16xf32>,
        %swap3A_45 = arith.index_cast %scan3A_26 : i32 to index
        %swap3A_46 = arith.constant 64 : index
        %swap3A_47 = tpu.vector_load %arg20[%swap3A_45, %swap3A_46] {strides = array<i32>} : memref<128x128xf32, #tpu.memory_space<vmem>>, vector<16xf32>,
        tpu.vector_store %arg20[%swap3A_45, %swap3A_46], %gather3A_44 {strides = array<i32>} : memref<128x128xf32, #tpu.memory_space<vmem>>, vector<16xf32>,
        %iota3A_48 = tpu.iota {dimensions = array<i32: 0>} : vector<16xi32>
        %add3A_49 = arith.constant 16 : i32
        %add3A_50 = vector.broadcast %add3A_49 : i32 to vector<16xi32>
        %add3A_51 = arith.addi %add3A_50, %iota3A_48 : vector<16xi32>
        %gather3A_52 = tpu.vector_load_idx %arg18[%add3A_51, %broadcast_in_dim3A] : memref<64x768xf32, #tpu.memory_space<vmem>>[vector<16xi32>, vector<16xi32>], vector<16xf32>,
        %swap3A_53 = arith.index_cast %scan3A_26 : i32 to index
        %swap3A_54 = arith.constant 16 : index
        %swap3A_55 = tpu.vector_load %arg20[%swap3A_53, %swap3A_54] {strides = array<i32>} : memref<128x128xf32, #tpu.memory_space<vmem>>, vector<16xf32>,
        tpu.vector_store %arg20[%swap3A_53, %swap3A_54], %gather3A_52 {strides = array<i32>} : memref<128x128xf32, #tpu.memory_space<vmem>>, vector<16xf32>,
        %gather3A_56 = tpu.vector_load_idx %arg19[%add3A_51, %broadcast_in_dim3A] : memref<64x768xf32, #tpu.memory_space<vmem>>[vector<16xi32>, vector<16xi32>], vector<16xf32>,
        %swap3A_57 = arith.index_cast %scan3A_26 : i32 to index
        %swap3A_58 = arith.constant 80 : index
        %swap3A_59 = tpu.vector_load %arg20[%swap3A_57, %swap3A_58] {strides = array<i32>} : memref<128x128xf32, #tpu.memory_space<vmem>>, vector<16xf32>,
        tpu.vector_store %arg20[%swap3A_57, %swap3A_58], %gather3A_56 {strides = array<i32>} : memref<128x128xf32, #tpu.memory_space<vmem>>, vector<16xf32>,
        %iota3A_60 = tpu.iota {dimensions = array<i32: 0>} : vector<16xi32>
        %add3A_61 = arith.constant 32 : i32
        %add3A_62 = vector.broadcast %add3A_61 : i32 to vector<16xi32>
        %add3A_63 = arith.addi %add3A_62, %iota3A_60 : vector<16xi32>
        %gather3A_64 = tpu.vector_load_idx %arg18[%add3A_63, %broadcast_in_dim3A] : memref<64x768xf32, #tpu.memory_space<vmem>>[vector<16xi32>, vector<16xi32>], vector<16xf32>,
        %swap3A_65 = arith.index_cast %scan3A_26 : i32 to index
        %swap3A_66 = arith.constant 32 : index
        %swap3A_67 = tpu.vector_load %arg20[%swap3A_65, %swap3A_66] {strides = array<i32>} : memref<128x128xf32, #tpu.memory_space<vmem>>, vector<16xf32>,
        tpu.vector_store %arg20[%swap3A_65, %swap3A_66], %gather3A_64 {strides = array<i32>} : memref<128x128xf32, #tpu.memory_space<vmem>>, vector<16xf32>,
        %gather3A_68 = tpu.vector_load_idx %arg19[%add3A_63, %broadcast_in_dim3A] : memref<64x768xf32, #tpu.memory_space<vmem>>[vector<16xi32>, vector<16xi32>], vector<16xf32>,
        %swap3A_69 = arith.index_cast %scan3A_26 : i32 to index
        %swap3A_70 = arith.constant 96 : index
        %swap3A_71 = tpu.vector_load %arg20[%swap3A_69, %swap3A_70] {strides = array<i32>} : memref<128x128xf32, #tpu.memory_space<vmem>>, vector<16xf32>,
        tpu.vector_store %arg20[%swap3A_69, %swap3A_70], %gather3A_68 {strides = array<i32>} : memref<128x128xf32, #tpu.memory_space<vmem>>, vector<16xf32>,
        %iota3A_72 = tpu.iota {dimensions = array<i32: 0>} : vector<16xi32>
        %add3A_73 = arith.constant 48 : i32
        %add3A_74 = vector.broadcast %add3A_73 : i32 to vector<16xi32>
        %add3A_75 = arith.addi %add3A_74, %iota3A_72 : vector<16xi32>
        %gather3A_76 = tpu.vector_load_idx %arg18[%add3A_75, %broadcast_in_dim3A] : memref<64x768xf32, #tpu.memory_space<vmem>>[vector<16xi32>, vector<16xi32>], vector<16xf32>,
        %swap3A_77 = arith.index_cast %scan3A_26 : i32 to index
        %swap3A_78 = arith.constant 48 : index
        %swap3A_79 = tpu.vector_load %arg20[%swap3A_77, %swap3A_78] {strides = array<i32>} : memref<128x128xf32, #tpu.memory_space<vmem>>, vector<16xf32>,
        tpu.vector_store %arg20[%swap3A_77, %swap3A_78], %gather3A_76 {strides = array<i32>} : memref<128x128xf32, #tpu.memory_space<vmem>>, vector<16xf32>,
        %gather3A_80 = tpu.vector_load_idx %arg19[%add3A_75, %broadcast_in_dim3A] : memref<64x768xf32, #tpu.memory_space<vmem>>[vector<16xi32>, vector<16xi32>], vector<16xf32>,
        %swap3A_81 = arith.index_cast %scan3A_26 : i32 to index
        %swap3A_82 = arith.constant 112 : index
        %swap3A_83 = tpu.vector_load %arg20[%swap3A_81, %swap3A_82] {strides = array<i32>} : memref<128x128xf32, #tpu.memory_space<vmem>>, vector<16xf32>,
        tpu.vector_store %arg20[%swap3A_81, %swap3A_82], %gather3A_80 {strides = array<i32>} : memref<128x128xf32, #tpu.memory_space<vmem>>, vector<16xf32>,
        scf.yield %div3A_33 : i32
      }
      %scan3A_23 = arith.constant 128 : i32
      %mul3A_24 = arith.constant 128 : i32
      %mul3A_25 = arith.muli %scan3A_16, %mul3A_24 : i32
      "tpu.region"() ({
        %run_scoped3A = tpu.sem_alloc : memref<!tpu.dma_semaphore, #tpu.memory_space<semaphore_mem>>
        %dma_start3A = tpu.memref_slice %arg17[%mul3A_25] : memref<512xi32, #tpu.memory_space<vmem>> -> memref<128xi32, #tpu.memory_space<vmem>>
        %dma_start3A_26 = arith.constant 0 : i32
        %dma_start3A_27 = arith.constant 0 : i32
        %dma_start3A_28 = tpu.memref_slice %arg15[%dma_start3A_26, %dma_start3A_27] : memref<16384x128xf32, #tpu.memory_space<hbm>> -> memref<16384x128xf32, #tpu.memory_space<hbm>>
        tpu.enqueue_indirect_dma source(%arg20 : memref<128x128xf32, #tpu.memory_space<vmem>>) target(%dma_start3A_28 : memref<16384x128xf32, #tpu.memory_space<hbm>>) offsets(%dma_start3A : memref<128xi32, #tpu.memory_space<vmem>>) semaphore(%run_scoped3A : memref<!tpu.dma_semaphore, #tpu.memory_space<semaphore_mem>>)
        %dma_wait3A = tpu.memref_slice %arg17[%mul3A_25] : memref<512xi32, #tpu.memory_space<vmem>> -> memref<128xi32, #tpu.memory_space<vmem>>
        %dma_wait3A_29 = arith.constant 0 : i32
        %dma_wait3A_30 = arith.constant 0 : i32
        %dma_wait3A_31 = tpu.memref_slice %arg15[%dma_wait3A_29, %dma_wait3A_30] : memref<16384x128xf32, #tpu.memory_space<hbm>> -> memref<16384x128xf32, #tpu.memory_space<hbm>>
        tpu.wait_indirect_dma semaphore(%run_scoped3A : memref<!tpu.dma_semaphore, #tpu.memory_space<semaphore_mem>>) src(%arg20 : memref<128x128xf32, #tpu.memory_space<vmem>>) dst(%dma_wait3A_31 : memref<16384x128xf32, #tpu.memory_space<hbm>>)
        tpu.yield
      }) : () -> ()
      scf.yield %scan3A_22 : i32
    }
    %scan3A_15 = arith.constant 4 : i32
    return
  }
}

module attributes {stable_mosaic.version = 14 : i64} {
  func.func @_head_body(%arg0: i32, %arg1: memref<2048x128xf32, #tpu.memory_space<vmem>>, %arg2: memref<2048x128xf32, #tpu.memory_space<vmem>>, %arg3: memref<128x128xf32, #tpu.memory_space<vmem>>, %arg4: memref<1x128xf32, #tpu.memory_space<vmem>>, %arg5: memref<64x128xf32, #tpu.memory_space<vmem>>, %arg6: memref<1x64xf32, #tpu.memory_space<vmem>>, %arg7: memref<1x128xf32, #tpu.memory_space<vmem>>, %arg8: memref<1x1xf32, #tpu.memory_space<smem>>, %arg9: memref<2048x1xf32, #tpu.memory_space<vmem>>) attributes {dimension_semantics = [#tpu.dimension_semantics<arbitrary>], iteration_bounds = array<i64: 8>, scalar_prefetch = 0 : i64, scratch_operands = 0 : i64, tpu.core_type = #tpu.core_type<tc>, window_params = [{transform_indices = @transform_0, window_bounds = array<i64: 2048, 128>}, {transform_indices = @transform_1, window_bounds = array<i64: 2048, 128>}, {pipeline_mode = #tpu.pipeline_mode<synchronous>, transform_indices = @transform_2, window_bounds = array<i64: 128, 128>}, {pipeline_mode = #tpu.pipeline_mode<synchronous>, transform_indices = @transform_3, window_bounds = array<i64: 1, 128>}, {pipeline_mode = #tpu.pipeline_mode<synchronous>, transform_indices = @transform_4, window_bounds = array<i64: 64, 128>}, {pipeline_mode = #tpu.pipeline_mode<synchronous>, transform_indices = @transform_5, window_bounds = array<i64: 1, 64>}, {pipeline_mode = #tpu.pipeline_mode<synchronous>, transform_indices = @transform_6, window_bounds = array<i64: 1, 128>}, {transform_indices = @transform_7, window_bounds = array<i64: 1, 1>}, {transform_indices = @transform_8, window_bounds = array<i64: 2048, 1>}]} {
    %get3A = arith.constant 0 : index
    %get3A_0 = arith.constant 0 : index
    %get3A_1 = vector.load %arg1[%get3A, %get3A_0] : memref<2048x128xf32, #tpu.memory_space<vmem>>, vector<2048x128xf32>
    %get3A_2 = arith.constant 0 : index
    %get3A_3 = arith.constant 0 : index
    %get3A_4 = vector.load %arg2[%get3A_2, %get3A_3] : memref<2048x128xf32, #tpu.memory_space<vmem>>, vector<2048x128xf32>
    %slice3A = vector.extract_strided_slice %get3A_1 {offsets = [0, 0], sizes = [2048, 64], strides = [1, 1]} : vector<2048x128xf32> to vector<2048x64xf32>
    %slice3A_5 = vector.extract_strided_slice %get3A_4 {offsets = [0, 0], sizes = [2048, 64], strides = [1, 1]} : vector<2048x128xf32> to vector<2048x64xf32>
    %mul3A = arith.mulf %slice3A, %slice3A_5 : vector<2048x64xf32>
    %slice3A_6 = vector.extract_strided_slice %get3A_1 {offsets = [0, 64], sizes = [2048, 64], strides = [1, 1]} : vector<2048x128xf32> to vector<2048x64xf32>
    %slice3A_7 = vector.extract_strided_slice %get3A_4 {offsets = [0, 64], sizes = [2048, 64], strides = [1, 1]} : vector<2048x128xf32> to vector<2048x64xf32>
    %concatenate3A = tpu.concatenate %slice3A_6, %slice3A_7 in 1 : vector<2048x64xf32>, vector<2048x64xf32> -> vector<2048x128xf32>
    %get3A_8 = arith.constant 0 : index
    %get3A_9 = arith.constant 0 : index
    %get3A_10 = vector.load %arg3[%get3A_8, %get3A_9] : memref<128x128xf32, #tpu.memory_space<vmem>>, vector<128x128xf32>
    %dot_general3A = arith.constant dense<0.000000e+00> : vector<2048x128xf32>
    %dot_general3A_11 = tpu.matmul %concatenate3A, %get3A_10, %dot_general3A {dimension_numbers = #tpu.dot_dimension_numbers<[1], [1], [0], [0], [0, 0, 1, 0], [], []>, transpose_lhs_hint = false} : vector<2048x128xf32>, vector<128x128xf32>, vector<2048x128xf32> -> vector<2048x128xf32>
    %get3A_12 = arith.constant 0 : index
    %get3A_13 = arith.constant 0 : index
    %get3A_14 = vector.load %arg4[%get3A_12, %get3A_13] : memref<1x128xf32, #tpu.memory_space<vmem>>, vector<1x128xf32>
    %add3A = vector.broadcast %get3A_14 : vector<1x128xf32> to vector<2048x128xf32>
    %add3A_15 = arith.addf %dot_general3A_11, %add3A : vector<2048x128xf32>
    %max3A = arith.constant 0.000000e+00 : f32
    %max3A_16 = vector.broadcast %max3A : f32 to vector<2048x128xf32>
    %max3A_17 = arith.maximumf %add3A_15, %max3A_16 : vector<2048x128xf32>
    %get3A_18 = arith.constant 0 : index
    %get3A_19 = arith.constant 0 : index
    %get3A_20 = vector.load %arg5[%get3A_18, %get3A_19] : memref<64x128xf32, #tpu.memory_space<vmem>>, vector<64x128xf32>
    %dot_general3A_21 = arith.constant dense<0.000000e+00> : vector<2048x64xf32>
    %dot_general3A_22 = tpu.matmul %max3A_17, %get3A_20, %dot_general3A_21 {dimension_numbers = #tpu.dot_dimension_numbers<[1], [1], [0], [0], [0, 0, 1, 0], [], []>, transpose_lhs_hint = false} : vector<2048x128xf32>, vector<64x128xf32>, vector<2048x64xf32> -> vector<2048x64xf32>
    %get3A_23 = arith.constant 0 : index
    %get3A_24 = arith.constant 0 : index
    %get3A_25 = vector.load %arg6[%get3A_23, %get3A_24] : memref<1x64xf32, #tpu.memory_space<vmem>>, vector<1x64xf32>
    %add3A_26 = vector.broadcast %get3A_25 : vector<1x64xf32> to vector<2048x64xf32>
    %add3A_27 = arith.addf %dot_general3A_22, %add3A_26 : vector<2048x64xf32>
    %max3A_28 = arith.constant 0.000000e+00 : f32
    %max3A_29 = vector.broadcast %max3A_28 : f32 to vector<2048x64xf32>
    %max3A_30 = arith.maximumf %add3A_27, %max3A_29 : vector<2048x64xf32>
    %concatenate3A_31 = tpu.concatenate %mul3A, %max3A_30 in 1 : vector<2048x64xf32>, vector<2048x64xf32> -> vector<2048x128xf32>
    %get3A_32 = arith.constant 0 : index
    %get3A_33 = arith.constant 0 : index
    %get3A_34 = vector.load %arg7[%get3A_32, %get3A_33] : memref<1x128xf32, #tpu.memory_space<vmem>>, vector<1x128xf32>
    %mul3A_35 = vector.broadcast %get3A_34 : vector<1x128xf32> to vector<2048x128xf32>
    %mul3A_36 = arith.mulf %concatenate3A_31, %mul3A_35 : vector<2048x128xf32>
    %reduce_sum3A = arith.constant dense<0.000000e+00> : vector<2048xf32>
    %reduce_sum3A_37 = vector.multi_reduction <add>, %mul3A_36, %reduce_sum3A [1] : vector<2048x128xf32> to vector<2048xf32>
    %broadcast_in_dim3A = vector.shape_cast %reduce_sum3A_37 : vector<2048xf32> to vector<2048x1xf32>
    %get3A_38 = arith.constant 0 : index
    %get3A_39 = arith.constant 0 : index
    %get3A_40 = memref.load %arg8[%get3A_38, %get3A_39] : memref<1x1xf32, #tpu.memory_space<smem>>
    %add3A_41 = vector.broadcast %get3A_40 : f32 to vector<2048x1xf32>
    %add3A_42 = arith.addf %broadcast_in_dim3A, %add3A_41 : vector<2048x1xf32>
    %neg3A = arith.constant 0.000000e+00 : f32
    %neg3A_43 = vector.broadcast %neg3A : f32 to vector<2048x1xf32>
    %neg3A_44 = arith.subf %neg3A_43, %add3A_42 : vector<2048x1xf32>
    %exp3A = math.exp %neg3A_44 : vector<2048x1xf32>
    %add3A_45 = arith.constant 1.000000e+00 : f32
    %add3A_46 = vector.broadcast %add3A_45 : f32 to vector<2048x1xf32>
    %add3A_47 = arith.addf %add3A_46, %exp3A : vector<2048x1xf32>
    %div3A = arith.constant 1.000000e+00 : f32
    %div3A_48 = vector.broadcast %div3A : f32 to vector<2048x1xf32>
    %div3A_49 = arith.divf %div3A_48, %add3A_47 : vector<2048x1xf32>
    %swap3A = arith.constant 0 : index
    %swap3A_50 = arith.constant 0 : index
    %swap3A_51 = vector.load %arg9[%swap3A, %swap3A_50] : memref<2048x1xf32, #tpu.memory_space<vmem>>, vector<2048x1xf32>
    tpu.vector_store %arg9[%swap3A, %swap3A_50], %div3A_49 {strides = array<i32>} : memref<2048x1xf32, #tpu.memory_space<vmem>>, vector<2048x1xf32>,
    return
  }
  func.func @transform_0(%arg0: i32) -> (i32, i32) {
    %c0_i32 = arith.constant 0 : i32
    %c0_i32_0 = arith.constant 0 : i32
    return %arg0, %c0_i32 : i32, i32
  }
  func.func @transform_1(%arg0: i32) -> (i32, i32) {
    %c0_i32 = arith.constant 0 : i32
    %c0_i32_0 = arith.constant 0 : i32
    return %arg0, %c0_i32 : i32, i32
  }
  func.func @transform_2(%arg0: i32) -> (i32, i32) {
    %c0_i32 = arith.constant 0 : i32
    %c0_i32_0 = arith.constant 0 : i32
    %c0_i32_1 = arith.constant 0 : i32
    return %c0_i32, %c0_i32_0 : i32, i32
  }
  func.func @transform_3(%arg0: i32) -> (i32, i32) {
    %c0_i32 = arith.constant 0 : i32
    %c0_i32_0 = arith.constant 0 : i32
    %c0_i32_1 = arith.constant 0 : i32
    return %c0_i32, %c0_i32_0 : i32, i32
  }
  func.func @transform_4(%arg0: i32) -> (i32, i32) {
    %c0_i32 = arith.constant 0 : i32
    %c0_i32_0 = arith.constant 0 : i32
    %c0_i32_1 = arith.constant 0 : i32
    return %c0_i32, %c0_i32_0 : i32, i32
  }
  func.func @transform_5(%arg0: i32) -> (i32, i32) {
    %c0_i32 = arith.constant 0 : i32
    %c0_i32_0 = arith.constant 0 : i32
    %c0_i32_1 = arith.constant 0 : i32
    return %c0_i32, %c0_i32_0 : i32, i32
  }
  func.func @transform_6(%arg0: i32) -> (i32, i32) {
    %c0_i32 = arith.constant 0 : i32
    %c0_i32_0 = arith.constant 0 : i32
    %c0_i32_1 = arith.constant 0 : i32
    return %c0_i32, %c0_i32_0 : i32, i32
  }
  func.func @transform_7(%arg0: i32) -> (i32, i32) {
    %c0_i32 = arith.constant 0 : i32
    %c0_i32_0 = arith.constant 0 : i32
    %c0_i32_1 = arith.constant 0 : i32
    return %c0_i32, %c0_i32_0 : i32, i32
  }
  func.func @transform_8(%arg0: i32) -> (i32, i32) {
    %c0_i32 = arith.constant 0 : i32
    %c0_i32_0 = arith.constant 0 : i32
    return %arg0, %c0_i32 : i32, i32
  }
}

</mosaic_0001>

<sc_bundles>
// kernel: kernel.4.cloned.1.call-start
scs
__scs_entry_jumppad:
0x0: {  	(pc) =	sbr.rel $0x88, $3  }
0x1: {  	(tag) =	ssettag $0x0;
	lr =	simm.s32 $0x1  }
0x2: {  	[smem:$0x3F95] =	sst lr;
	_ =	strace $0xD0000000  }
0x3: {  	_ = 	snop  }
0x4: {  	_ = 	snop  }
0x5: {  	_ = 	snop  }
0x6: {  	_ = 	snop  }
0x7: {  	_ = 	snop  }
__scs_overlays_trampoline_lowered:
0x8: {  	[smem:$0x3FA4] =	sst s0  }
0x9: {  	[smem:$0x3FA5] =	sst s1  }
0xa: {  	[smem:$0x3FA6] =	sst s2  }
0xb: {  	[smem:$0x3FA7] =	sst s3  }
0xc: {  	[smem:$0x3FA8] =	sst s4  }
0xd: {  	[smem:$0x3FA9] =	sst s5  }
0xe: {  	[smem:$0x3FAA] =	sst s6  }
0xf: {  	[smem:$0x3FAB] =	sst s7  }
0x10: {  	[smem:$0x3FAC] =	sst s8  }
0x11: {  	[smem:$0x3FAD] =	sst s9;
	s0 =	simm.s32 @!p0 $0x0  }
0x12: {  	s1 =	sld [smem:$0x3F93];
	s0 =	simm.s32 @p0 $0x1  }
0x13: {  	[smem:$0x3FAE] =	sst s0;
	s0 =	simm.s32 @!p1 $0x0  }
0x14: {  	s2 =	sld [smem:$0x3F92];
	s0 =	simm.s32 @p1 $0x1  }
0x15: {  	[smem:$0x3FAF] =	sst s0;
	s0 =	simm.s32 @!p2 $0x0  }
0x16: {  	s3 =	sld [smem:$0x3FDB];
	s0 =	simm.s32 @p2 $0x1  }
0x17: {  	s4 =	simm.s32 $0x1BF5;
	[smem:$0x3FB1] =	sst s0  }
0x18: {  	s0 =	sld [smem:$0x3F94];
	_ =	swait.ge [sflag:s4], $0x0  }
0x19: {  	s7 =	sld [smem:$0x3F95]  }
0x1a: {  	s8 =	sadd.s32 $0xFFFFE003, lr  }
0x1b: {  	s9 =	sadd.s32 $0xFFFFFEF7, lr;
	s5 =	simm.s32 $0xFFFFFFFF;
	p2 =	slt.u32 s8, $0xFFFFF086  }
0x1c: {  	p1 =	slt.u32 s9, $0xF7A;
	s5 =	simm.s32 @!p2 $0x0  }
0x1d: {  	s5 =	simm.s32 @p1 $0x1;
	p0 =	seq.s32 s7, s2  }
0x1e: {  	s7 =	smul.u32 @!p0 $0xF7A, s2;
	p2 =	seq.s32 @!p0 s5, $0x0  }
0x1f: {  	s9 =	smul.u32 $0xF7A, s1;
	s8 =	simm.s32 @!p0 $0x1BF5;
	p2 =	por !p2, p0  }
0x20: {  	[sflag:s8] =	ssyncset.s32 @!p0 $0xFFFFF086;
	s6 =	sadd.s32 @!p0 s3, s7;
	s7 =	simm.s32 @!p0 $0x108  }
0x21: {  	s3 =	sadd.s32 s3, s9;
	s6 =	sadd.s32 @!p0 $0x88, s6;
	s7 =	simm.s32 @p2 $0x1082  }
0x22: {  	[simem:s7], [sflag:s8] =	dma.local @!p0 [hbm:s6], $0xF7A  }
0x23: {  	s9 =	sor.u32 $0xD0000000, s2;
	s6 =	simm.s32 $0x108;
	_ =	swait.ge @!p0 [sflag:s8], $0x0  }
0x24: {  	s3 =	sadd.s32 $0x88, s3;
	s6 =	simm.s32 @!p1 $0x1082;
	[sflag:s4] =	ssyncset.s32 $0xFFFFF086  }
0x25: {  	[simem:s6], [sflag:s4] =	dma.local [hbm:s3], $0xF7A  }
0x26: {  	[smem:$0x3F95] =	sst s1;
	(tag) =	ssettag s2;
	_ =	strace s9  }
0x27: {  	s1 =	sld [smem:$0x3FA5]  }
0x28: {  	s2 =	sld [smem:$0x3FA6]  }
0x29: {  	s4 =	sld [smem:$0x3FA8]  }
0x2a: {  	p0 =	seq.s32 s5, $0x0;
	s5 =	sld [smem:$0x3FA9]  }
0x2b: {  	s6 =	sld [smem:$0x3FAA]  }
0x2c: {  	s7 =	sld [smem:$0x3FAB]  }
0x2d: {  	s3 =	simm.s32 $0x108;
	s8 =	sld [smem:$0x3FAC]  }
0x2e: {  	s3 =	simm.s32 @!p0 $0x1082;
	s9 =	sld [smem:$0x3FAD]  }
0x2f: {  	lr =	sadd.s32 s0, s3;
	s0 =	sld [smem:$0x3FA4]  }
0x30: {  	s3 =	sld [smem:$0x3FA7]  }
0x31: {  	[smem:$0x3FB0] =	sst s10  }
0x32: {  	s10 =	sld [smem:$0x3FAE];
	_ =	sdelay $0x3  }
0x33: {  	p0 =	seq.s32 s10, $0x1;
	s10 =	sld [smem:$0x3FB0];
	_ =	sdelay $0x3  }
0x34: {  	[smem:$0x3FB0] =	sst s10  }
0x35: {  	s10 =	sld [smem:$0x3FAF];
	_ =	sdelay $0x3  }
0x36: {  	p1 =	seq.s32 s10, $0x1;
	s10 =	sld [smem:$0x3FB0];
	_ =	sdelay $0x3  }
0x37: {  	[smem:$0x3FB0] =	sst s10  }
0x38: {  	s10 =	sld [smem:$0x3FB1]  }
0x39: {  	_ = 	snop;
	(pc) =	sbr.ind lr, $3  }
0x3a: {  	_ = 	snop  }
0x3b: {  	_ = 	snop  }
0x3c: {  	p2 =	seq.s32 s10, $0x1;
	s10 =	sld [smem:$0x3FB0]  }
0x3d: {  	_ =	shalt  }
0x3e: {  	_ =	shalt  }
0x3f: {  	_ =	shalt  }
0x40: {  	_ =	shalt  }
0x41: {  	_ =	shalt  }
0x42: {  	_ =	shalt  }
0x43: {  	_ =	shalt  }
0x44: {  	_ =	shalt  }
0x45: {  	_ =	shalt  }
0x46: {  	_ =	shalt  }
0x47: {  	_ =	shalt  }
0x48: {  	_ =	shalt  }
0x49: {  	_ =	shalt  }
0x4a: {  	_ =	shalt  }
0x4b: {  	_ =	shalt  }
0x4c: {  	_ =	shalt  }
0x4d: {  	_ =	shalt  }
0x4e: {  	_ =	shalt  }
0x4f: {  	_ =	shalt  }
0x50: {  	_ =	shalt  }
0x51: {  	_ =	shalt  }
0x52: {  	_ =	shalt  }
0x53: {  	_ =	shalt  }
0x54: {  	_ =	shalt  }
0x55: {  	_ =	shalt  }
0x56: {  	_ =	shalt  }
0x57: {  	_ =	shalt  }
0x58: {  	_ =	shalt  }
0x59: {  	_ =	shalt  }
0x5a: {  	_ =	shalt  }
0x5b: {  	_ =	shalt  }
0x5c: {  	_ =	shalt  }
0x5d: {  	_ =	shalt  }
0x5e: {  	_ =	shalt  }
0x5f: {  	_ =	shalt  }
0x60: {  	_ =	shalt  }
0x61: {  	_ =	shalt  }
0x62: {  	_ =	shalt  }
0x63: {  	_ =	shalt  }
0x64: {  	_ =	shalt  }
0x65: {  	_ =	shalt  }
0x66: {  	_ =	shalt  }
0x67: {  	_ =	shalt  }
0x68: {  	_ =	shalt  }
0x69: {  	_ =	shalt  }
0x6a: {  	_ =	shalt  }
0x6b: {  	_ =	shalt  }
0x6c: {  	_ =	shalt  }
0x6d: {  	_ =	shalt  }
0x6e: {  	_ =	shalt  }
0x6f: {  	_ =	shalt  }
0x70: {  	_ =	shalt  }
0x71: {  	_ =	shalt  }
0x72: {  	_ =	shalt  }
0x73: {  	_ =	shalt  }
0x74: {  	_ =	shalt  }
0x75: {  	_ =	shalt  }
0x76: {  	_ =	shalt  }
0x77: {  	_ =	shalt  }
0x78: {  	_ =	shalt  }
0x79: {  	_ =	shalt  }
0x7a: {  	_ =	shalt  }
0x7b: {  	_ =	shalt  }
0x7c: {  	_ =	shalt  }
0x7d: {  	_ =	shalt  }
0x7e: {  	_ =	shalt  }
0x7f: {  	_ =	shalt  }
0x80: {  	_ =	shalt  }
0x81: {  	_ =	shalt  }
0x82: {  	_ =	shalt  }
0x83: {  	_ =	shalt  }
0x84: {  	_ =	shalt  }
0x85: {  	_ =	shalt  }
0x86: {  	_ =	shalt  }
0x87: {  	_ =	shalt  }
.Lfunc_end0:
.L_simem_size_0:
called_computation_lowered:
.L_overlay_start_0:
0x88: {  	s2 =	sld [smem:$0x3FD9]  }
0x89: {  	s3 =	sld [smem:$0x3FFE];
	_ =	sdelay $0x1  }
0x8a: {  	s1 =	srdreg.scid  }
0x8b: {  	s0 =	sand.u32 $0x1, s1  }
0x8c: {  	s17 =	sshll.u32 s0, $0xA;
	s2 =	sadd.s32 s3, s2  }
0x8d: {  	s2 =	sadd.s32 s2, s17  }
0x8e: {  	[smem:$0x3FBC] =	sst s2  }
0x8f: {  	_ = 	snop  }
0x90: {  	s2 =	sld [smem:$0x3FC7]  }
0x91: {  	s18 =	sld [smem:$0x3FC6]  }
0x92: {  	s4 =	sld [smem:$0x3FC5]  }
0x93: {  	s5 =	sld [smem:$0x3FC4]  }
0x94: {  	s6 =	sld [smem:$0x3FD0];
	(tm) =	ssettm $0x1  }
0x95: {  	s7 =	sld [smem:$0x3FFB];
	_ =	sdelay $0x3  }
0x96: {  	_ =	strace s7  }
0x97: {  	s7 =	sld [smem:$0x3FFC];
	_ =	sdelay $0x3  }
0x98: {  	_ =	strace s7  }
0x99: {  	s7 =	sld [smem:$0x3FFD];
	_ =	sdelay $0x3  }
0x9a: {  	_ =	strace s7  }
0x9b: {  	_ =	strace $0x8FFFFFFF  }
0x9c: {  	s19 =	sld [smem:$0x3FDB];
	_ =	sdelay $0x1  }
0x9d: {  	s8 =	simm.s32 $_scs_section_size  }
0x9e: {  	s9 =	simm.s32 $_size__tile_overlayer_lowered;
	s10 =	simm.s32 $_tile_overlayer_lowered  }
0x9f: {  	s22 =	simm.s32 $0x1BFF;
	s21 =	sshll.u32 s10, $0x1;
	s7 =	sadd.s32 s8, s19  }
0xa0: {  	s11 =	simm.s32 $0x0;
	s20 =	sshll.u32 s9, $0x1;
	s9 =	sadd.s32 s21, s7  }
0xa1: {  	[timem:s11], [sflag:s22] =	dma.local [hbm:s9], s20  }
0xa2: {  	_ =	swait.ge [sflag:s22], s20  }
0xa3: {  	s8 =	ssub.s32 $0x0, s20;
	[sflag:s22] =	ssyncset.done $0x0  }
0xa4: {  	[sflag:s22] =	ssyncadd.s32 s8;
	_ =	sdelay $0x1  }
0xa5: {  	s23 =	simm.s32 $0x1B8B  }
0xa6: {  	_ =	swait.ge [sflag:s23], $0x1  }
0xa7: {  	[sflag:s23] =	ssyncset.done $0x0  }
0xa8: {  	s25 =	simm.s32 $0x1B8E;
	s24 =	sld [smem:$0x3FFE];
	[sflag:s23] =	ssyncadd.s32 $0xFFFFFFFF  }
0xa9: {  	s26 =	simm.s32 $execute0_lowered;
	[smem:$0x3FD2] =	sst s25  }
0xaa: {  	s9 =	sshll.u32 s26, $0x1;
	_ =	strace $0x80000046;
	[dreg:$0x1] =	wrdreg $0xFFFFFFFF  }
0xab: {  	s28 =	simm.s32 $_size_execute0_lowered;
	s7 =	sadd.s32 s7, s9;
	[dreg:$0x0] =	wrdreg $0x0  }
0xac: {  	s9 =	sshll.u32 s28, $0x1;
	[dreg:$0x2] =	wrdreg s7  }
0xad: {  	[dreg:$0x3] =	wrdreg s9  }
0xae: {  	[dreg:$0x4] =	wrdreg $0xC0  }
0xaf: {  	_ =	task [dreg:s11], $0x5FFFF  }
0xb0: {  	[dreg:$0x1] =	wrdreg $0xFFFFFFFF  }
0xb1: {  	[dreg:$0x0] =	wrdreg $0x60  }
0xb2: {  	[dreg:$0x2] =	wrdreg s6  }
0xb3: {  	[dreg:$0x3] =	wrdreg s24  }
0xb4: {  	[dreg:$0x4] =	wrdreg s2  }
0xb5: {  	[dreg:$0x5] =	wrdreg s4  }
0xb6: {  	[dreg:$0x6] =	wrdreg s18  }
0xb7: {  	[dreg:$0x7] =	wrdreg s5  }
0xb8: {  	[dreg:$0x8] =	wrdreg $0x9  }
0xb9: {  	_ =	task.clear_ibuf [dreg:s11], $0x9FFFF;
	_ =	strace $0x90000046  }
0xba: {  	s29 =	simm.s32 $0x9;
	_ =	strace $0x80000048  }
0xbb: {  	_ =	swait.ge [sflag:s29], $0x1  }
0xbc: {  	[sflag:s29] =	ssyncadd.s32 $0xFFFFFFFF  }
0xbd: {  	_ =	strace $0x90000048  }
0xbe: {  	_ =	sfence  }
0xbf: {  	s30 =	sld [smem:$0x0];
	_ =	sdelay $0x2  }
0xc0: {  	s31 =	sshll.u32 s1, $0xD;
	s1 =	sshrl.u32 s1, $0x2  }
0xc1: {  	s3 =	sand.u32 $0x4000, s31;
	s1 =	sadd.s32 s1, s30  }
0xc2: {  	s0 =	sor.u32 s3, s0;
	s1 =	sshll.u32 s1, $0x11  }
0xc3: {  	s0 =	sor.u32 s1, s0  }
0xc4: {  	s0 =	sadd.s32 $0x8F2B, s0  }
0xc5: {  	[sflag:s0] =	ssyncadd.remote.s32 $0x1  }
0xc6: {  	_ =	sfence.sel $0xFFFF  }
0xc7: {  	[dreg:$0x0] =	wrdreg $0xFFFFFFFF;
	(pc) =	sbr.abs _section_cstart, $3  }
0xc8: {  	[dreg:$0x1] =	wrdreg $0xFFFFFFFF  }
0xc9: {  	_ =	task.clear_ibuf [dreg:s11], $0x2FFFF;
	_ =	strace $0x9FFFFFFF  }
0xca: {  	(tm) =	ssettm $0x7FFFFFFF  }
0xcb: {  	_ =	shalt  }
tec
execute0_lowered:
.L_overlay_start_1:
0x0: {  	(tag) =	ssettag $0x1  }
0x1: {  	s0 =	rddreg [dreg:$0x0]  }
0x2: {  	s5 =	rddreg [dreg:$0x1];
	s4 =	simm.s32 $0x0  }
0x3: {  	[smem:$0x7FF] =	sst s4;
	s8 =	sadd.s32 $0x2400, s5  }
0x4: {  	v0 =	vimm.s32 $0x1B80;
	s9 =	sadd.s32 $0xC00, s5;
	_ =	strace $0x80000047;
	[dreg:$0x7] =	wrdreg s8  }
0x5: {  	vm14 =	vcmask $0x300;
	vm13 =	vcmask $0x704;
	vm12 =	vcmask $0xB08;
	s10 =	sadd.s32 $0x1800, s5;
	[dreg:$0x8] =	wrdreg s9  }
0x6: {  	vm11 =	vcmask $0xF0C;
	vm10 =	vcmask $0x1310;
	vm9 =	vcmask $0x1714;
	s11 =	sadd.s32 $0x4800, s5;
	[dreg:$0x9] =	wrdreg s10  }
0x7: {  	vm8 =	vcmask $0x1B18;
	vm7 =	vcmask $0x1F1C;
	vm6 =	vcmask $0x2320;
	s12 =	sadd.s32 $0x44800, s5;
	[dreg:$0xa] =	wrdreg s11  }
0x8: {  	vm5 =	vcmask $0x2724;
	s1 =	srdreg.scid;
	vm4 =	vcmask $0x2B28;
	vm2 =	vcmask $0x2F2C;
	s18 =	sadd.s32 $0x2580, s5;
	[dreg:$0xb] =	wrdreg s12  }
0x9: {  	s2 =	stileid.u32;
	vm3 =	vcmask $0x3330;
	vm1 =	vcmask $0x3734;
	vm0 =	vcmask $0x3B38;
	s19 =	sadd.s32 $0x2700, s5;
	[dreg:$0x11] =	wrdreg s18  }
0xa: {  	v1 =	vimm.s32 $0x4B80;
	v2 =	vimm.s32 $0x7B80;
	v3 =	vimm.s32 $0xAB80;
	s1 =	sand.u32 $0x1, s1;
	s20 =	sadd.s32 $0x2880, s5;
	[dreg:$0x12] =	wrdreg s19  }
0xb: {  	v0 =	vsel vm14, $0x0, v0;
	s2 =	sshll.u32 s2, $0x7;
	v1 =	vsel vm14, $0x3000, v1;
	v2 =	vsel vm14, $0x6000, v2;
	s21 =	sadd.s32 $0x2A00, s5;
	[dreg:$0x13] =	wrdreg s20  }
0xc: {  	v3 =	vsel vm14, $0x9000, v3;
	s22 =	sadd.s32 $0x2B80, s5;
	s23 =	sadd.s32 $0x2D00, s5;
	v0 =	vsel vm13, $0x80, v0;
	v1 =	vsel vm13, $0x3080, v1;
	[dreg:$0x14] =	wrdreg s21  }
0xd: {  	s24 =	sadd.s32 $0x2E80, s5;
	s25 =	sadd.s32 $0xD80, s5;
	v2 =	vsel vm13, $0x6080, v2;
	v3 =	vsel vm13, $0x9080, v3;
	[dreg:$0x15] =	wrdreg s22;
	v0 =	vsel vm12, $0x100, v0  }
0xe: {  	s26 =	sadd.s32 $0xF00, s5;
	s28 =	sadd.s32 $0x1080, s5;
	[dreg:$0x16] =	wrdreg s23;
	v1 =	vsel vm12, $0x3100, v1;
	v2 =	vsel vm12, $0x6100, v2;
	v3 =	vsel vm12, $0x9100, v3  }
0xf: {  	s29 =	sadd.s32 $0x1200, s5;
	s30 =	sadd.s32 $0x1380, s5;
	[dreg:$0x17] =	wrdreg s24;
	v0 =	vsel vm11, $0x180, v0;
	v1 =	vsel vm11, $0x3180, v1;
	v2 =	vsel vm11, $0x6180, v2  }
0x10: {  	s31 =	sadd.s32 $0x1500, s5;
	s4 =	sadd.s32 $0x1680, s5;
	[dreg:$0x18] =	wrdreg s25;
	v3 =	vsel vm11, $0x9180, v3;
	v0 =	vsel vm10, $0x200, v0;
	v1 =	vsel vm10, $0x3200, v1  }
0x11: {  	s6 =	sadd.s32 $0x1980, s5;
	s7 =	sadd.s32 $0x1B00, s5;
	[dreg:$0x19] =	wrdreg s26;
	v2 =	vsel vm10, $0x6200, v2;
	v3 =	vsel vm10, $0x9200, v3;
	v0 =	vsel vm9, $0x280, v0  }
0x12: {  	s3 =	sshll.u32 s1, $0x6;
	s1 =	ssub.s32 $0x2, s1;
	[dreg:$0x1a] =	wrdreg s28;
	v1 =	vsel vm9, $0x3280, v1;
	v2 =	vsel vm9, $0x6280, v2;
	v3 =	vsel vm9, $0x9280, v3  }
0x13: {  	[dreg:$0x1b] =	wrdreg s29;
	s11 =	sadd.s32 $0x180, s5;
	s12 =	sadd.s32 $0x300, s5;
	v0 =	vsel vm8, $0x300, v0;
	v1 =	vsel vm8, $0x3300, v1;
	v2 =	vsel vm8, $0x6300, v2  }
0x14: {  	[dreg:$0x1c] =	wrdreg s30;
	s8 =	simm.s32 $0x1800;
	s9 =	simm.s32 $0x7A1400;
	v3 =	vsel vm8, $0x9300, v3;
	v0 =	vsel vm7, $0x380, v0;
	v1 =	vsel vm7, $0x3380, v1  }
0x15: {  	s10 =	simm.s32 $0x480;
	s18 =	simm.s32 $0xC480;
	s19 =	simm.s32 $0x1;
	v2 =	vsel vm7, $0x6380, v2;
	v3 =	vsel vm7, $0x9380, v3;
	v0 =	vsel vm6, $0x1800, v0  }
0x16: {  	s20 =	simm.s32 $0x2;
	s2 =	sor.u32 s3, s2;
	s13 =	sshrl.u32 s1, $0x1;
	v1 =	vsel vm6, $0x4800, v1;
	v2 =	vsel vm6, $0x7800, v2;
	v3 =	vsel vm6, $0xA800, v3  }
0x17: {  	s22 =	simm.s32 $0x0;
	s3 =	sadd.s32 s2, s5;
	s1 =	ssub.s32 s1, s13;
	v0 =	vsel vm5, $0x1880, v0;
	v1 =	vsel vm5, $0x4880, v1;
	v2 =	vsel vm5, $0x7880, v2  }
0x18: {  	s0 =	sadd.s32 s0, s2;
	s13 =	sadd.s32 $0x1C80, s5;
	s2 =	sadd.s32 $0x780, s5;
	v3 =	vsel vm5, $0xA880, v3;
	v0 =	vsel vm4, $0x1900, v0;
	v1 =	vsel vm4, $0x4900, v1  }
0x19: {  	[dreg:$0xc] =	wrdreg s0;
	s14 =	sadd.s32 $0x4000, s3;
	s15 =	sadd.s32 $0x3000, s3;
	v2 =	vsel vm4, $0x7900, v2;
	v3 =	vsel vm4, $0xA900, v3;
	v0 =	vsel vm2, $0x1980, v0  }
.Ltmp0:
0x1a: {  	s16 =	sadd.s32 $0x3800, s3;
	[dreg:$0xd] =	wrdreg s14;
	v1 =	vsel vm2, $0x4980, v1;
	v2 =	vsel vm2, $0x7980, v2;
	v3 =	vsel vm2, $0xA980, v3;
	(pc) =	sbr.rel .LBB2_1-.Ltmp0, $4  }
0x1b: {  	s17 =	smax.u32 s1, $0x1;
	s0 =	sadd.s32 $0x480, s5;
	[dreg:$0xe] =	wrdreg s15;
	v0 =	vsel vm3, $0x1A00, v0;
	v1 =	vsel vm3, $0x4A00, v1;
	v2 =	vsel vm3, $0x7A00, v2  }
0x1c: {  	s1 =	sadd.s32 $0x600, s5;
	s3 =	sadd.s32 $0x900, s5;
	[dreg:$0xf] =	wrdreg s16;
	v3 =	vsel vm3, $0xAA00, v3;
	v0 =	vsel vm1, $0x1A80, v0;
	v1 =	vsel vm1, $0x4A80, v1  }
0x1d: {  	[dreg:$0x10] =	wrdreg s17;
	s14 =	sadd.s32 $0x1E00, s5;
	s15 =	sadd.s32 $0x1F80, s5;
	v2 =	vsel vm1, $0x7A80, v2;
	v3 =	vsel vm1, $0xAA80, v3;
	v0 =	vsel vm0, $0x1B00, v0  }
0x1e: {  	s16 =	sadd.s32 $0x2100, s5;
	s17 =	sadd.s32 $0x2280, s5;
	s5 =	sadd.s32 $0xA80, s5;
	v1 =	vsel vm0, $0x4B00, v1;
	v2 =	vsel vm0, $0x7B00, v2;
	v3 =	vsel vm0, $0xAB00, v3  }
.LBB2_15:
0x1f: {  	s22 =	rddreg [dreg:$0x1d]  }
0x20: {  	s21 =	rddreg [dreg:$0x10];
	s22 =	sadd.s32 $0x1, s22  }
0x21: {  	p0 =	sne.s32 s22, s21  }
.Ltmp1:
0x22: {  	_ = 	snop;
	(pc) =	sbr.rel @!p0 .LBB2_16-.Ltmp1, $1  }
0x23: {  	_ =	sdelay $0x3  }
.LBB2_1:
0x24: {  	[dreg:$0x1d] =	wrdreg s22  }
0x25: {  	s21 =	simm.s32 $0x0;
	s29 =	rddreg [dreg:$0xc];
	s23 =	simm.s32 $0x3  }
0x26: {  	[tilespmem:s21], [sflag:$0x3] =	stream.linear.gather [hbm4b:s29+s21], $0x200, $0x38;
	[tilespmem:$0x1C480] =	vst v63  }
0x27: {  	_ =	swait.ge [sflag:s23], $0x200  }
0x28: {  	s24 =	simm.s32 $0x280;
	[sflag:s23] =	ssyncset.done $0x0  }
.Ltmp2:
0x29: {  	s30 =	rddreg [dreg:$0xd];
	[sflag:s23] =	ssyncadd.s32 $0xFFFFFE00;
	(pc) =	sbr.rel .LBB2_2-.Ltmp2, $4  }
0x2a: {  	[tilespmem:s24], [sflag:$0x3] =	stream.linear.gather [hbm4b:s30+s21], $0x200, $0x38;
	[tilespmem:$0x1C480] =	vst v63  }
0x2b: {  	_ =	swait.ge [sflag:s23], $0x200  }
0x2c: {  	s28 =	simm.s32 $0xFFFFFFFF;
	[sflag:s23] =	ssyncset.done $0x0  }
0x2d: {  	s22 =	simm.s32 $0x0;
	s21 =	simm.s32 $0x0;
	[sflag:s23] =	ssyncadd.s32 $0xFFFFFE00  }
.LBB2_7:
0x2e: {  	s23 =	rddreg [dreg:$0x1e]  }
0x2f: {  	s24 =	rddreg [dreg:$0xa];
	s25 =	simm.s32 $0x80;
	s22 =	sadd.s32 $0x1, s22  }
0x30: {  	s26 =	simm.s32 $0x18480;
	s23 =	sshrl.u32 s23, $0x2;
	p0 =	sne.s32 s22, $0x4  }
.Ltmp3:
0x31: {  	s30 =	simm.s32 $0x3;
	s23 =	sadd.s32 $0x280, s23;
	(pc) =	sbr.rel @!p0 .LBB2_8-.Ltmp3, $4  }
0x32: {  	[hbm4b:s24+s25] =	stream.indirect.scatter [tilespmem:s26], [sflag:$0x3], $0x80, s23, s25, $0xb8;
	[tilespmem:$0x1C480] =	vst v63  }
0x33: {  	_ =	swait.ge [sflag:s30], $0x4000  }
0x34: {  	[sflag:s30] =	ssyncset.done $0x0  }
0x35: {  	s21 =	sadd.s32 $0x80, s21;
	[sflag:s30] =	ssyncadd.s32 $0xFFFFC000  }
.LBB2_2:
.Ltmp4:
0x36: {  	(pc) =	sbr.rel .LBB2_3-.Ltmp4, $3  }
0x37: {  	_ =	sdelay $0x1  }
0x38: {  	s23 =	sshll.u32 s22, $0x9;
	s24 =	simm.s32 $0x0  }
0x39: {  	s25 =	simm.s32 $0x184C0;
	v4 =	vmov s21;
	[dreg:$0x1e] =	wrdreg s23;
	s23 =	smov.u32 s28  }
.LBB2_5:
0x3a: {  	p0 =	slt.s32 s26, $0xF4200  }
0x3b: {  	p1 =	seq.s32 @!p0 s28, s23  }
0x3c: {  	p0 =	por p1, p0  }
0x3d: {  	s30 =	rddreg [dreg:$0x7];
	s23 =	simm.s32 @!p0 $0x0;
	s26 =	simm.s32 @!p0 $0x480  }
0x3e: {  	[tilespmem:s26], [sflag:$0x1] =	stream.linear.gather @!p0 [hbm4b:s30+s23], $0xC00, $0x38;
	[tilespmem:$0x1C480] =	vst v63  }
0x3f: {  	s26 =	simm.s32 @!p0 $0x1C80;
	s30 =	rddreg [dreg:$0x11]  }
0x40: {  	[tilespmem:s26], [sflag:$0x1] =	stream.linear.gather @!p0 [hbm4b:s30+s23], $0xC00, $0x38;
	[tilespmem:$0x1C480] =	vst v63  }
0x41: {  	s26 =	simm.s32 @!p0 $0x3480;
	s30 =	rddreg [dreg:$0x12]  }
0x42: {  	[tilespmem:s26], [sflag:$0x1] =	stream.linear.gather @!p0 [hbm4b:s30+s23], $0xC00, $0x38;
	[tilespmem:$0x1C480] =	vst v63  }
0x43: {  	s26 =	simm.s32 @!p0 $0x4C80;
	s30 =	rddreg [dreg:$0x13]  }
0x44: {  	[tilespmem:s26], [sflag:$0x1] =	stream.linear.gather @!p0 [hbm4b:s30+s23], $0xC00, $0x38;
	[tilespmem:$0x1C480] =	vst v63  }
0x45: {  	s26 =	simm.s32 @!p0 $0x6480;
	s30 =	rddreg [dreg:$0x14]  }
0x46: {  	[tilespmem:s26], [sflag:$0x1] =	stream.linear.gather @!p0 [hbm4b:s30+s23], $0xC00, $0x38;
	[tilespmem:$0x1C480] =	vst v63  }
0x47: {  	s26 =	simm.s32 @!p0 $0x7C80;
	s30 =	rddreg [dreg:$0x15]  }
0x48: {  	[tilespmem:s26], [sflag:$0x1] =	stream.linear.gather @!p0 [hbm4b:s30+s23], $0xC00, $0x38;
	[tilespmem:$0x1C480] =	vst v63  }
0x49: {  	s26 =	simm.s32 @!p0 $0x9480;
	s30 =	rddreg [dreg:$0x16]  }
0x4a: {  	[tilespmem:s26], [sflag:$0x1] =	stream.linear.gather @!p0 [hbm4b:s30+s23], $0xC00, $0x38;
	[tilespmem:$0x1C480] =	vst v63  }
0x4b: {  	s26 =	simm.s32 @!p0 $0xAC80;
	s30 =	rddreg [dreg:$0x17]  }
0x4c: {  	[tilespmem:s26], [sflag:$0x1] =	stream.linear.gather @!p0 [hbm4b:s30+s23], $0xC00, $0x38;
	[tilespmem:$0x1C480] =	vst v63  }
0x4d: {  	s26 =	simm.s32 @!p0 $0xC480;
	s30 =	rddreg [dreg:$0x8]  }
0x4e: {  	[tilespmem:s26], [sflag:$0x2] =	stream.linear.gather @!p0 [hbm4b:s30+s23], $0xC00, $0x38;
	[tilespmem:$0x1C480] =	vst v63  }
0x4f: {  	s26 =	simm.s32 @!p0 $0xDC80;
	s30 =	rddreg [dreg:$0x18]  }
0x50: {  	[tilespmem:s26], [sflag:$0x2] =	stream.linear.gather @!p0 [hbm4b:s30+s23], $0xC00, $0x38;
	[tilespmem:$0x1C480] =	vst v63  }
0x51: {  	s26 =	simm.s32 @!p0 $0xF480;
	s30 =	rddreg [dreg:$0x19]  }
0x52: {  	[tilespmem:s26], [sflag:$0x2] =	stream.linear.gather @!p0 [hbm4b:s30+s23], $0xC00, $0x38;
	[tilespmem:$0x1C480] =	vst v63  }
0x53: {  	s26 =	simm.s32 @!p0 $0x10C80;
	s30 =	rddreg [dreg:$0x1a]  }
0x54: {  	[tilespmem:s26], [sflag:$0x2] =	stream.linear.gather @!p0 [hbm4b:s30+s23], $0xC00, $0x38;
	[tilespmem:$0x1C480] =	vst v63  }
0x55: {  	s26 =	simm.s32 @!p0 $0x12480;
	s30 =	rddreg [dreg:$0x1b]  }
0x56: {  	[tilespmem:s26], [sflag:$0x2] =	stream.linear.gather @!p0 [hbm4b:s30+s23], $0xC00, $0x38;
	[tilespmem:$0x1C480] =	vst v63  }
0x57: {  	s26 =	simm.s32 @!p0 $0x13C80;
	s30 =	rddreg [dreg:$0x1c]  }
0x58: {  	[tilespmem:s26], [sflag:$0x2] =	stream.linear.gather @!p0 [hbm4b:s30+s23], $0xC00, $0x38;
	[tilespmem:$0x1C480] =	vst v63  }
0x59: {  	s26 =	simm.s32 @!p0 $0x15480  }
0x5a: {  	[tilespmem:s26], [sflag:$0x2] =	stream.linear.gather @!p0 [hbm4b:s31+s23], $0xC00, $0x38;
	[tilespmem:$0x1C480] =	vst v63  }
0x5b: {  	s26 =	simm.s32 @!p0 $0x16C80  }
0x5c: {  	[tilespmem:s26], [sflag:$0x2] =	stream.linear.gather @!p0 [hbm4b:s4+s23], $0xC00, $0x38;
	[tilespmem:$0x1C480] =	vst v63  }
0x5d: {  	s23 =	simm.s32 @!p0 $0x1  }
0x5e: {  	_ =	swait.ge @!p0 [sflag:s23], $0x6000  }
0x5f: {  	[sflag:s23] =	ssyncset.done @!p0 $0x0  }
0x60: {  	[sflag:s23] =	ssyncadd.s32 @!p0 $0xFFFFA000;
	s23 =	simm.s32 @!p0 $0x2  }
0x61: {  	_ =	swait.ge @!p0 [sflag:s23], $0x6000  }
0x62: {  	[sflag:s23] =	ssyncset.done @!p0 $0x0  }
0x63: {  	[sflag:s23] =	ssyncadd.s32 @!p0 $0xFFFFA000  }
.LBB2_6:
0x64: {  	s23 =	smul.u32 $0xFFFFFD00, s28;
	_ =	sdelay $0x1  }
0x65: {  	s23 =	sadd.s32 s29, s23  }
0x66: {  	v5 =	vmov s23  }
0x67: {  	v6 =	vshll.u32 v5, $0x3  }
0x68: {  	v5 =	vand.u32 $0x7F, v5;
	v6 =	vand.u32 $0xFFFFFC00, v6  }
0x69: {  	v5 =	vor.u32 v5, v6  }
0x6a: {  	v6 =	vadd.s32 v0, v5;
	_ =	sdelay $0x4  }
0x6b: {  	v7 =	vld.idx.msk [tilespmem:v6+s10+$0x0], $0xffff;
	_ =	sdelay $0x4  }
0x6c: {  	[tilespmem:s25+$0xFFFFFFC0] =	vst v7  }
0x6d: {  	v6 =	vld.idx.msk [tilespmem:v6+s18+$0x0], $0xffff  }
0x6e: {  	v7 =	vadd.s32 v1, v5;
	_ =	sdelay $0x3  }
0x6f: {  	[tilespmem:s25+$0x0] =	vst v6  }
0x70: {  	v6 =	vld.idx.msk [tilespmem:v7+s10+$0x0], $0xffff;
	_ =	sdelay $0x4  }
0x71: {  	[tilespmem:s25+$0xFFFFFFD0] =	vst v6  }
0x72: {  	v6 =	vld.idx.msk [tilespmem:v7+s18+$0x0], $0xffff  }
0x73: {  	v7 =	vadd.s32 v2, v5;
	_ =	sdelay $0x3  }
0x74: {  	[tilespmem:s25+$0x10] =	vst v6  }
0x75: {  	v6 =	vld.idx.msk [tilespmem:v7+s10+$0x0], $0xffff;
	_ =	sdelay $0x4  }
0x76: {  	[tilespmem:s25+$0xFFFFFFE0] =	vst v6  }
0x77: {  	v6 =	vld.idx.msk [tilespmem:v7+s18+$0x0], $0xffff  }
0x78: {  	v5 =	vadd.s32 v3, v5;
	_ =	sdelay $0x3  }
0x79: {  	[tilespmem:s25+$0x20] =	vst v6  }
0x7a: {  	v6 =	vld.idx.msk [tilespmem:v5+s10+$0x0], $0xffff;
	_ =	sdelay $0x4  }
0x7b: {  	s24 =	sadd.s32 $0x4, s24;
	[tilespmem:s25+$0xFFFFFFF0] =	vst v6  }
0x7c: {  	p0 =	sne.s32 s24, $0x200;
	v5 =	vld.idx.msk [tilespmem:v5+s18+$0x0], $0xffff  }
.Ltmp5:
0x7d: {  	_ = 	snop;
	(pc) =	sbr.rel @!p0 .LBB2_7-.Ltmp5, $2  }
0x7e: {  	_ =	sdelay $0x2  }
0x7f: {  	s23 =	smov.u32 s28;
	[tilespmem:s25+$0x30] =	vst v5;
	s25 =	sadd.s32 $0x80, s25  }
.LBB2_3:
0x80: {  	_ =	sdelay $0x2  }
0x81: {  	s26 =	sshra.s32 s24, $0x2  }
0x82: {  	v5 =	vld.idx.msk [tilespmem:v4+s26+$0x0 ss:$0x1], $0xffff;
	_ =	sdelay $0x4  }
0x83: {  	(v2sf) =	vpush v5, $0x0;
	_ =	sdelay $0xe  }
0x84: {  	s26 =	spop (v2sf)  }
0x85: {  	p0 =	slt.s32 s26, $0xF423F;
	s29 =	smov.u32 s26  }
0x86: {  	s29 =	simm.s32 @!p0 $0xF423F  }
0x87: {  	s28 =	smulhi.u32 $0x2AAAAAAB, s29;
	s30 =	sshra.s32 s29, $0x1F  }
0x88: {  	s30 =	smul.u32 $0x2AAAAAAB, s30;
	_ =	sdelay $0x1  }
0x89: {  	s28 =	sadd.s32 s30, s28  }
0x8a: {  	s30 =	sshrl.u32 s28, $0x1F;
	s28 =	sshra.s32 s28, $0x7  }
0x8b: {  	p0 =	sgt.s32 s26, $0xF41FF;
	s28 =	sadd.s32 s30, s28  }
0x8c: {  	p1 =	seq.s32 @!p0 s28, s23  }
0x8d: {  	p0 =	por p0, p1  }
.Ltmp6:
0x8e: {  	_ = 	snop;
	(pc) =	sbr.rel @p0 .LBB2_5-.Ltmp6, $1  }
0x8f: {  	_ =	sdelay $0x3  }
0x90: {  	s23 =	smul.u32 $0x1800, s28;
	_ =	sdelay $0x1  }
0x91: {  	s26 =	rddreg [dreg:$0x2];
	s23 =	sshrl.u32 s23, $0x3  }
0x92: {  	s30 =	rddreg [dreg:$0x3];
	s26 =	sadd.s32 s26, s23  }
0x93: {  	[tilespmem:s10], [sflag:$0x1] =	stream.strided.gather [hbm4b:s26+s8], $0xC000, s9, s8, $0x38;
	[tilespmem:$0x1C480] =	vst v63  }
0x94: {  	s23 =	sadd.s32 s30, s23  }
0x95: {  	[tilespmem:s18], [sflag:$0x2] =	stream.strided.gather [hbm4b:s23+s8], $0xC000, s9, s8, $0x38;
	[tilespmem:$0x1C480] =	vst v63  }
0x96: {  	_ =	swait.ge [sflag:s19], $0xC000  }
.Ltmp7:
0x97: {  	[sflag:s19] =	ssyncset.done $0x0;
	(pc) =	sbr.rel .LBB2_6-.Ltmp7, $4  }
0x98: {  	[sflag:s19] =	ssyncadd.s32 $0xFFFF4000  }
0x99: {  	_ =	swait.ge [sflag:s20], $0xC000  }
0x9a: {  	[sflag:s20] =	ssyncset.done $0x0  }
0x9b: {  	[sflag:s20] =	ssyncadd.s32 $0xFFFF4000  }
.LBB2_8:
0x9c: {  	s21 =	simm.s32 $0x0;
	s22 =	rddreg [dreg:$0xe];
	s23 =	simm.s32 $0x3  }
0x9d: {  	[tilespmem:s21], [sflag:$0x3] =	stream.linear.gather [hbm4b:s22+s21], $0x200, $0x38;
	[tilespmem:$0x1C480] =	vst v63  }
0x9e: {  	_ =	swait.ge [sflag:s23], $0x200  }
0x9f: {  	s24 =	simm.s32 $0x280;
	[sflag:s23] =	ssyncset.done $0x0  }
.Ltmp8:
0xa0: {  	s30 =	rddreg [dreg:$0xf];
	[sflag:s23] =	ssyncadd.s32 $0xFFFFFE00;
	(pc) =	sbr.rel .LBB2_9-.Ltmp8, $4  }
0xa1: {  	[tilespmem:s24], [sflag:$0x3] =	stream.linear.gather [hbm4b:s30+s21], $0x200, $0x38;
	[tilespmem:$0x1C480] =	vst v63  }
0xa2: {  	_ =	swait.ge [sflag:s23], $0x200  }
0xa3: {  	[sflag:s23] =	ssyncset.done $0x0  }
0xa4: {  	s22 =	simm.s32 $0x0;
	[sflag:s23] =	ssyncadd.s32 $0xFFFFFE00;
	s23 =	simm.s32 $0xFFFFFFFF  }
.LBB2_14:
0xa5: {  	s24 =	rddreg [dreg:$0x1f]  }
0xa6: {  	s25 =	rddreg [dreg:$0xb];
	s26 =	simm.s32 $0x80;
	s22 =	sadd.s32 $0x1, s22  }
0xa7: {  	s28 =	simm.s32 $0x18480;
	s24 =	sshrl.u32 s24, $0x2;
	p0 =	sne.s32 s22, $0x4  }
.Ltmp9:
0xa8: {  	s30 =	simm.s32 $0x3;
	s24 =	sadd.s32 $0x280, s24;
	(pc) =	sbr.rel @!p0 .LBB2_15-.Ltmp9, $4  }
0xa9: {  	[hbm4b:s25+s26] =	stream.indirect.scatter [tilespmem:s28], [sflag:$0x3], $0x80, s24, s26, $0xb8;
	[tilespmem:$0x1C480] =	vst v63  }
0xaa: {  	_ =	swait.ge [sflag:s30], $0x4000  }
0xab: {  	[sflag:s30] =	ssyncset.done $0x0  }
0xac: {  	s21 =	sadd.s32 $0x80, s21;
	[sflag:s30] =	ssyncadd.s32 $0xFFFFC000  }
.LBB2_9:
.Ltmp10:
0xad: {  	(pc) =	sbr.rel .LBB2_10-.Ltmp10, $3  }
0xae: {  	_ =	sdelay $0x1  }
0xaf: {  	s24 =	sshll.u32 s22, $0x9;
	s25 =	simm.s32 $0x0  }
0xb0: {  	v4 =	vmov s21;
	s28 =	smov.u32 s23;
	[dreg:$0x1f] =	wrdreg s24;
	s24 =	simm.s32 $0x184C0  }
.LBB2_12:
0xb1: {  	p0 =	slt.s32 s29, $0xF4200  }
0xb2: {  	p1 =	seq.s32 @!p0 s23, s28  }
0xb3: {  	p0 =	por p1, p0  }
0xb4: {  	s30 =	rddreg [dreg:$0x9];
	s28 =	simm.s32 @!p0 $0x0;
	s29 =	simm.s32 @!p0 $0x480  }
0xb5: {  	[tilespmem:s29], [sflag:$0x1] =	stream.linear.gather @!p0 [hbm4b:s30+s28], $0xC00, $0x38;
	[tilespmem:$0x1C480] =	vst v63  }
0xb6: {  	s29 =	simm.s32 @!p0 $0x1C80  }
0xb7: {  	[tilespmem:s29], [sflag:$0x1] =	stream.linear.gather @!p0 [hbm4b:s6+s28], $0xC00, $0x38;
	[tilespmem:$0x1C480] =	vst v63  }
0xb8: {  	s29 =	simm.s32 @!p0 $0x3480  }
0xb9: {  	[tilespmem:s29], [sflag:$0x1] =	stream.linear.gather @!p0 [hbm4b:s7+s28], $0xC00, $0x38;
	[tilespmem:$0x1C480] =	vst v63  }
0xba: {  	s29 =	simm.s32 @!p0 $0x4C80  }
0xbb: {  	[tilespmem:s29], [sflag:$0x1] =	stream.linear.gather @!p0 [hbm4b:s13+s28], $0xC00, $0x38;
	[tilespmem:$0x1C480] =	vst v63  }
0xbc: {  	s29 =	simm.s32 @!p0 $0x6480  }
0xbd: {  	[tilespmem:s29], [sflag:$0x1] =	stream.linear.gather @!p0 [hbm4b:s14+s28], $0xC00, $0x38;
	[tilespmem:$0x1C480] =	vst v63  }
0xbe: {  	s29 =	simm.s32 @!p0 $0x7C80  }
0xbf: {  	[tilespmem:s29], [sflag:$0x1] =	stream.linear.gather @!p0 [hbm4b:s15+s28], $0xC00, $0x38;
	[tilespmem:$0x1C480] =	vst v63  }
0xc0: {  	s29 =	simm.s32 @!p0 $0x9480  }
0xc1: {  	[tilespmem:s29], [sflag:$0x1] =	stream.linear.gather @!p0 [hbm4b:s16+s28], $0xC00, $0x38;
	[tilespmem:$0x1C480] =	vst v63  }
0xc2: {  	s29 =	simm.s32 @!p0 $0xAC80  }
0xc3: {  	[tilespmem:s29], [sflag:$0x1] =	stream.linear.gather @!p0 [hbm4b:s17+s28], $0xC00, $0x38;
	[tilespmem:$0x1C480] =	vst v63  }
0xc4: {  	s30 =	rddreg [dreg:$0x1];
	s29 =	simm.s32 @!p0 $0xC480  }
0xc5: {  	[tilespmem:s29], [sflag:$0x2] =	stream.linear.gather @!p0 [hbm4b:s30+s28], $0xC00, $0x38;
	[tilespmem:$0x1C480] =	vst v63  }
0xc6: {  	s29 =	simm.s32 @!p0 $0xDC80  }
0xc7: {  	[tilespmem:s29], [sflag:$0x2] =	stream.linear.gather @!p0 [hbm4b:s11+s28], $0xC00, $0x38;
	[tilespmem:$0x1C480] =	vst v63  }
0xc8: {  	s29 =	simm.s32 @!p0 $0xF480  }
0xc9: {  	[tilespmem:s29], [sflag:$0x2] =	stream.linear.gather @!p0 [hbm4b:s12+s28], $0xC00, $0x38;
	[tilespmem:$0x1C480] =	vst v63  }
0xca: {  	s29 =	simm.s32 @!p0 $0x10C80  }
0xcb: {  	[tilespmem:s29], [sflag:$0x2] =	stream.linear.gather @!p0 [hbm4b:s0+s28], $0xC00, $0x38;
	[tilespmem:$0x1C480] =	vst v63  }
0xcc: {  	s29 =	simm.s32 @!p0 $0x12480  }
0xcd: {  	[tilespmem:s29], [sflag:$0x2] =	stream.linear.gather @!p0 [hbm4b:s1+s28], $0xC00, $0x38;
	[tilespmem:$0x1C480] =	vst v63  }
0xce: {  	s29 =	simm.s32 @!p0 $0x13C80  }
0xcf: {  	[tilespmem:s29], [sflag:$0x2] =	stream.linear.gather @!p0 [hbm4b:s2+s28], $0xC00, $0x38;
	[tilespmem:$0x1C480] =	vst v63  }
0xd0: {  	s29 =	simm.s32 @!p0 $0x15480  }
0xd1: {  	[tilespmem:s29], [sflag:$0x2] =	stream.linear.gather @!p0 [hbm4b:s3+s28], $0xC00, $0x38;
	[tilespmem:$0x1C480] =	vst v63  }
0xd2: {  	s29 =	simm.s32 @!p0 $0x16C80  }
0xd3: {  	[tilespmem:s29], [sflag:$0x2] =	stream.linear.gather @!p0 [hbm4b:s5+s28], $0xC00, $0x38;
	[tilespmem:$0x1C480] =	vst v63  }
0xd4: {  	s28 =	simm.s32 @!p0 $0x1  }
0xd5: {  	_ =	swait.ge @!p0 [sflag:s28], $0x6000  }
0xd6: {  	[sflag:s28] =	ssyncset.done @!p0 $0x0  }
0xd7: {  	[sflag:s28] =	ssyncadd.s32 @!p0 $0xFFFFA000;
	s28 =	simm.s32 @!p0 $0x2  }
0xd8: {  	_ =	swait.ge @!p0 [sflag:s28], $0x6000  }
0xd9: {  	[sflag:s28] =	ssyncset.done @!p0 $0x0  }
0xda: {  	[sflag:s28] =	ssyncadd.s32 @!p0 $0xFFFFA000  }
.LBB2_13:
0xdb: {  	s28 =	smul.u32 $0xFFFFFD00, s23;
	_ =	sdelay $0x1  }
0xdc: {  	s26 =	sadd.s32 s26, s28  }
0xdd: {  	v5 =	vmov s26  }
0xde: {  	v6 =	vshll.u32 v5, $0x3  }
0xdf: {  	v5 =	vand.u32 $0x7F, v5;
	v6 =	vand.u32 $0xFFFFFC00, v6  }
0xe0: {  	v5 =	vor.u32 v5, v6  }
0xe1: {  	v6 =	vadd.s32 v0, v5;
	_ =	sdelay $0x4  }
0xe2: {  	v7 =	vld.idx.msk [tilespmem:v6+s10+$0x0], $0xffff;
	_ =	sdelay $0x4  }
0xe3: {  	[tilespmem:s24+$0xFFFFFFC0] =	vst v7  }
0xe4: {  	v6 =	vld.idx.msk [tilespmem:v6+s18+$0x0], $0xffff  }
0xe5: {  	v7 =	vadd.s32 v1, v5;
	_ =	sdelay $0x3  }
0xe6: {  	[tilespmem:s24+$0x0] =	vst v6  }
0xe7: {  	v6 =	vld.idx.msk [tilespmem:v7+s10+$0x0], $0xffff;
	_ =	sdelay $0x4  }
0xe8: {  	[tilespmem:s24+$0xFFFFFFD0] =	vst v6  }
0xe9: {  	v6 =	vld.idx.msk [tilespmem:v7+s18+$0x0], $0xffff  }
0xea: {  	v7 =	vadd.s32 v2, v5;
	_ =	sdelay $0x3  }
0xeb: {  	[tilespmem:s24+$0x10] =	vst v6  }
0xec: {  	v6 =	vld.idx.msk [tilespmem:v7+s10+$0x0], $0xffff;
	_ =	sdelay $0x4  }
0xed: {  	[tilespmem:s24+$0xFFFFFFE0] =	vst v6  }
0xee: {  	v6 =	vld.idx.msk [tilespmem:v7+s18+$0x0], $0xffff  }
0xef: {  	v5 =	vadd.s32 v3, v5;
	_ =	sdelay $0x3  }
0xf0: {  	[tilespmem:s24+$0x20] =	vst v6  }
0xf1: {  	v6 =	vld.idx.msk [tilespmem:v5+s10+$0x0], $0xffff;
	_ =	sdelay $0x4  }
0xf2: {  	s25 =	sadd.s32 $0x4, s25;
	[tilespmem:s24+$0xFFFFFFF0] =	vst v6  }
0xf3: {  	p0 =	sne.s32 s25, $0x200;
	v5 =	vld.idx.msk [tilespmem:v5+s18+$0x0], $0xffff  }
.Ltmp11:
0xf4: {  	_ = 	snop;
	(pc) =	sbr.rel @!p0 .LBB2_14-.Ltmp11, $2  }
0xf5: {  	_ =	sdelay $0x2  }
0xf6: {  	s28 =	smov.u32 s23;
	[tilespmem:s24+$0x30] =	vst v5;
	s24 =	sadd.s32 $0x80, s24  }
.LBB2_10:
0xf7: {  	_ =	sdelay $0x2  }
0xf8: {  	s23 =	sshra.s32 s25, $0x2  }
0xf9: {  	v5 =	vld.idx.msk [tilespmem:v4+s23+$0x0 ss:$0x1], $0xffff;
	_ =	sdelay $0x4  }
0xfa: {  	(v2sf) =	vpush v5, $0x0;
	_ =	sdelay $0xe  }
0xfb: {  	s29 =	spop (v2sf)  }
0xfc: {  	p0 =	slt.s32 s29, $0xF423F;
	s26 =	smov.u32 s29  }
0xfd: {  	s26 =	simm.s32 @!p0 $0xF423F  }
0xfe: {  	s23 =	smulhi.u32 $0x2AAAAAAB, s26;
	s30 =	sshra.s32 s26, $0x1F  }
0xff: {  	s30 =	smul.u32 $0x2AAAAAAB, s30;
	_ =	sdelay $0x1  }
0x100: {  	s23 =	sadd.s32 s30, s23  }
0x101: {  	s30 =	sshrl.u32 s23, $0x1F;
	s23 =	sshra.s32 s23, $0x7  }
0x102: {  	p0 =	sgt.s32 s29, $0xF41FF;
	s23 =	sadd.s32 s30, s23  }
0x103: {  	p1 =	seq.s32 @!p0 s23, s28  }
0x104: {  	p0 =	por p0, p1  }
.Ltmp12:
0x105: {  	_ = 	snop;
	(pc) =	sbr.rel @p0 .LBB2_12-.Ltmp12, $1  }
0x106: {  	_ =	sdelay $0x3  }
0x107: {  	s28 =	smul.u32 $0x1800, s23;
	_ =	sdelay $0x1  }
0x108: {  	s29 =	rddreg [dreg:$0x4];
	s28 =	sshrl.u32 s28, $0x3  }
0x109: {  	s30 =	rddreg [dreg:$0x5];
	s29 =	sadd.s32 s29, s28  }
0x10a: {  	[tilespmem:s10], [sflag:$0x1] =	stream.strided.gather [hbm4b:s29+s8], $0xC000, s9, s8, $0x38;
	[tilespmem:$0x1C480] =	vst v63  }
0x10b: {  	s28 =	sadd.s32 s30, s28  }
0x10c: {  	[tilespmem:s18], [sflag:$0x2] =	stream.strided.gather [hbm4b:s28+s8], $0xC000, s9, s8, $0x38;
	[tilespmem:$0x1C480] =	vst v63  }
0x10d: {  	_ =	swait.ge [sflag:s19], $0xC000  }
.Ltmp13:
0x10e: {  	[sflag:s19] =	ssyncset.done $0x0;
	(pc) =	sbr.rel .LBB2_13-.Ltmp13, $4  }
0x10f: {  	[sflag:s19] =	ssyncadd.s32 $0xFFFF4000  }
0x110: {  	_ =	swait.ge [sflag:s20], $0xC000  }
0x111: {  	[sflag:s20] =	ssyncset.done $0x0  }
0x112: {  	[sflag:s20] =	ssyncadd.s32 $0xFFFF4000  }
.LBB2_16:
0x113: {  	_ =	sfence.sel $0x180000  }
0x114: {  	[bflag:$0x0] =	sbarrier.arrive $0xFFFF  }
0x115: {  	_ =	strace $0x90000047  }
0x116: {  	s0 =	stileid.u32;
	[bflag:$0x2] =	sbarrier.arrive $0xFFFF  }
0x117: {  	p0 =	sne.s32 s0, $0x0;
	s0 =	rddreg [dreg:$0x6]  }
0x118: {  	s0 =	sadd.s32 @!p0 $0x100000, s0  }
0x119: {  	[sflag:s0] =	ssyncadd.tile.s32 @!p0 $0x1;
	_ =	shalt  }
.Lfunc_end2:
_tile_overlayer_lowered:
.L_overlay_start_2:
0x11a: {  	(tag) =	ssettag $0x2  }
0x11b: {  	s0 =	rddreg [dreg:$0x0];
	s2 =	stileid.u32  }
0x11c: {  	s1 =	rddreg [dreg:$0x1];
	p0 =	sne.s32 s2, $0x0  }
0x11d: {  	s3 =	rddreg [dreg:$0x2];
	[bflag:$0x3] =	sbarrier.arrive $0xFFFF;
	s2 =	simm.s32 @!p0 $0x1C03  }
0x11e: {  	[timem:s3], [sflag:s2] =	dma.local @!p0 [hbm:s0], s1  }
0x11f: {  	s0 =	simm.s32 @!p0 $0x3  }
0x120: {  	_ =	swait.ge @!p0 [sflag:s0], s1  }
0x121: {  	s1 =	ssub.s32 @!p0 $0x0, s1;
	[sflag:s0] =	ssyncset.done @!p0 $0x0  }
0x122: {  	[sflag:s0] =	ssyncadd.s32 @!p0 s1  }
0x123: {  	[bflag:$0x3] =	sbarrier.arrive $0xFFFF  }
0x124: {  	_ =	shalt  }

</sc_bundles>
